<compile_context>
chip_gen: v7x
topology: tpu7x:2x2x1
jax: 0.10.2.dev20260603
libtpu: 0.0.44.dev20260713+nightly
codegen_flags: <defaults>
</compile_context>

<pallas_src>
import functools

import jax
import jax.numpy as jnp
from jax import lax
from jax.experimental import pallas as pl
from jax.experimental.pallas import tpu as pltpu
from jax.experimental.pallas import tpu_sc as plsc

H = 480
W = 640
PLANE = H * W
SURF = 2 * PLANE
SURF_PAD = SURF + 256
DUMP = SURF

NC = 2
NS = 16
NW = NC * NS
N_EV = 1_000_000

IDX_ROWS = 8192
N_CHUNK = IDX_ROWS // 8
PER_TILE = N_CHUNK // NW
SLICE16 = SURF // NS
ZCHUNK = 4800

BROWS = 64
N_BLK = IDX_ROWS // BROWS


def _index_body(ev_ref, o_ref):
    i = pl.program_id(0)
    x = ev_ref[0]
    y = ev_ref[1]
    p = ev_ref[3]
    idxf = jnp.where(p > 0.0, 0.0, float(PLANE)) + y * 640.0 + x
    row_i = jax.lax.broadcasted_iota(jnp.int32, (BROWS, 128), 0)
    col_j = jax.lax.broadcasted_iota(jnp.int32, (BROWS, 128), 1)
    eid = (i * BROWS + row_i) * 128 + col_j
    o_ref[...] = jnp.where(eid < N_EV, idxf,
                           float(DUMP)).astype(jnp.int32)


_index_kernel = pl.pallas_call(
    _index_body,
    grid=(N_BLK,),
    in_specs=[pl.BlockSpec((4, BROWS, 128), lambda i: (0, i, 0))],
    out_specs=pl.BlockSpec((BROWS, 128), lambda i: (i, 0)),
    out_shape=jax.ShapeDtypeStruct((IDX_ROWS, 128), jnp.int32),
)

_mesh = plsc.VectorSubcoreMesh(core_axis_name="c", subcore_axis_name="s")


@functools.partial(
    pl.kernel,
    out_type=jax.ShapeDtypeStruct((NC * SURF,), jnp.float32),
    mesh=_mesh,
    compiler_params=pltpu.CompilerParams(needs_layout_passes=False),
    scratch_types=[
        pltpu.VMEM((8, 128), jnp.int32),
        pltpu.VMEM((8, 128), jnp.int32),
        pltpu.VMEM((8, 128), jnp.int32),
        pltpu.VMEM((8, 128), jnp.int32),
        pltpu.VMEM((128,), jnp.float32),
        pltpu.VMEM((ZCHUNK,), jnp.float32),
        pltpu.VMEM_SHARED((SURF_PAD,), jnp.float32),
        pltpu.SemaphoreType.DMA,
        pltpu.SemaphoreType.DMA,
        pltpu.SemaphoreType.DMA,
        pltpu.SemaphoreType.DMA,
        pltpu.SemaphoreType.DMA,
        pltpu.SemaphoreType.DMA,
        pltpu.SemaphoreType.DMA,
        pltpu.SemaphoreType.DMA,
    ],
)
def _scatter_surface(idx_hbm, out_hbm, b0, b1, b2, b3, ones_v, zero_v,
                     surf_sh, si0, si1, si2, si3, ss0, ss1, ss2, ss3):
    cid = lax.axis_index("c")
    sid = lax.axis_index("s")
    wid = cid * NS + sid
    bufs = [b0, b1, b2, b3]
    in_sems = [si0, si1, si2, si3]
    sc_sems = [ss0, ss1, ss2, ss3]

    for i in range(8):
        ones_v[pl.ds(i * 16, 16)] = jnp.full((16,), 1.0, jnp.float32)

    def zfill(i, carry):
        zero_v[pl.ds(i * 16, 16)] = jnp.zeros((16,), jnp.float32)
        return carry

    lax.fori_loop(0, ZCHUNK // 16, zfill, 0)

    for k in range(SLICE16 // ZCHUNK):
        pltpu.sync_copy(zero_v,
                        surf_sh.at[pl.ds(sid * SLICE16 + k * ZCHUNK, ZCHUNK)])
    plsc.subcore_barrier()

    def _chunk_slice(i):
        return idx_hbm.at[pl.ds((wid + i * NW) * 8, 8), :]

    def _fire_in(i, k):
        pltpu.async_copy(_chunk_slice(i), bufs[k], in_sems[k])

    def _wait_in(i, k):
        pltpu.make_async_copy(_chunk_slice(i), bufs[k], in_sems[k]).wait()

    def _fire_scatters(k):
        for r in range(8):
            pltpu.async_copy(ones_v, surf_sh.at[bufs[k].at[r]], sc_sems[k])

    def _drain_scatters(k):
        for r in range(8):
            pltpu.make_async_copy(
                ones_v, surf_sh.at[bufs[k].at[r]], sc_sems[k]).wait()

    _fire_in(0, 0)

    def super_body(s, carry):
        for k in range(4):
            i = s * 4 + k
            nk = (k + 1) % 4
            pl.when(i >= 3)(lambda nk=nk: _drain_scatters(nk))
            pl.when(i < PER_TILE - 1)(
                lambda i=i, nk=nk: _fire_in(i + 1, nk))
            _wait_in(i, k)
            _fire_scatters(k)
        return carry

    lax.fori_loop(0, PER_TILE // 4, super_body, 0)
    for k in (1, 2, 3):
        _drain_scatters(k)

    plsc.subcore_barrier()
    pltpu.sync_copy(surf_sh.at[pl.ds(sid * SLICE16, SLICE16)],
                    out_hbm.at[pl.ds(cid * SURF + sid * SLICE16, SLICE16)])


def _combine_body(ab_ref, o_ref):
    o_ref[...] = jnp.maximum(ab_ref[pl.ds(0, SURF)],
                             ab_ref[pl.ds(SURF, SURF)])


_combine = pl.pallas_call(
    _combine_body,
    out_shape=jax.ShapeDtypeStruct((SURF,), jnp.float32),
)


def kernel(events, temporal_surface, last_timestamp):
    ev_t = jnp.pad(events.T, ((0, 0), (0, IDX_ROWS * 128 - N_EV)))
    idx2 = _index_kernel(ev_t.reshape(4, IDX_ROWS, 128))
    merged = _combine(_scatter_surface(idx2))
    return merged.reshape(2, H, W)

# --- scband reference (transcript-rebuilt; emitter-appended) ---
"""Pipeline reference for scband-temporal-encoder-16578573762770 (READ-ONLY COPY).

The authoritative reference and input builder live on the scoring server;
editing this copy changes nothing except your own understanding.
"""

import jax, jax.numpy as jnp
import numpy as np

SENSOR_W = 640
SENSOR_H = 480
TAU_DECAY = 20.0


def setup_inputs(seed: int = 0) -> dict:
    key = jax.random.key(seed)
    k1 = jax.random.fold_in(key, 1)
    events = jax.random.randint(k1, (1000000, 4), 0, 480).astype(jnp.float32)
    temporal_surface = jnp.zeros((2, SENSOR_H, SENSOR_W), dtype=jnp.float32)
    last_timestamp = jnp.asarray(0.0, dtype=jnp.float32)
    return {"events": events, "temporal_surface": temporal_surface, "last_timestamp": last_timestamp}


def reference(events, temporal_surface, last_timestamp):
    x_coords = events[:, 0].astype(jnp.int32)
    y_coords = events[:, 1].astype(jnp.int32)
    timestamps = events[:, 2]
    polarities = events[:, 3]

    valid = (x_coords >= 0) & (x_coords < SENSOR_W) & (y_coords >= 0) & (y_coords < SENSOR_H)

    current_time = jnp.max(jnp.where(valid, timestamps, -jnp.inf))
    dt = current_time - last_timestamp
    decay_factor = jnp.where(dt > 0, jnp.exp(-jnp.where(dt > 0, dt, 0.0) / TAU_DECAY), 1.0)
    surface = temporal_surface * decay_factor

    pos_mask = valid & (polarities > 0)
    neg_mask = valid & (polarities <= 0)

    # route invalid / masked-out events to an out-of-bounds index; mode='drop' ignores them
    y_pos = jnp.where(pos_mask, y_coords, SENSOR_H)
    x_pos = jnp.where(pos_mask, x_coords, SENSOR_W)
    y_neg = jnp.where(neg_mask, y_coords, SENSOR_H)
    x_neg = jnp.where(neg_mask, x_coords, SENSOR_W)

    surface = surface.at[0, y_pos, x_pos].set(1.0, mode='drop')
    surface = surface.at[1, y_neg, x_neg].set(1.0, mode='drop')
    return surface

if __name__ == "__main__":
    import jax
    _d = setup_inputs()
    print(jax.jit(kernel)(*tuple(_d.values())))

</pallas_src>

<mosaic_0001>
#map = affine_map<(d0, d1) -> (0, 0)>
#map1 = affine_map<(d0, d1) -> (0)>
module attributes {stable_mosaic.version = 14 : i64} {
  func.func @_scatter_surface(%arg0: i32, %arg1: i32, %arg2: memref<8192x128xi32, #tpu.memory_space<hbm>>, %arg3: memref<1228800xf32, #tpu.memory_space<hbm>>, %arg4: memref<8x128xi32, #tpu.memory_space<vmem>>, %arg5: memref<8x128xi32, #tpu.memory_space<vmem>>, %arg6: memref<8x128xi32, #tpu.memory_space<vmem>>, %arg7: memref<8x128xi32, #tpu.memory_space<vmem>>, %arg8: memref<128xf32, #tpu.memory_space<vmem>>, %arg9: memref<4800xf32, #tpu.memory_space<vmem>>, %arg10: memref<614656xf32, #tpu.memory_space<vmem_shared>>, %arg11: memref<!tpu.dma_semaphore, #tpu.memory_space<semaphore_mem>>, %arg12: memref<!tpu.dma_semaphore, #tpu.memory_space<semaphore_mem>>, %arg13: memref<!tpu.dma_semaphore, #tpu.memory_space<semaphore_mem>>, %arg14: memref<!tpu.dma_semaphore, #tpu.memory_space<semaphore_mem>>, %arg15: memref<!tpu.dma_semaphore, #tpu.memory_space<semaphore_mem>>, %arg16: memref<!tpu.dma_semaphore, #tpu.memory_space<semaphore_mem>>, %arg17: memref<!tpu.dma_semaphore, #tpu.memory_space<semaphore_mem>>, %arg18: memref<!tpu.dma_semaphore, #tpu.memory_space<semaphore_mem>>) attributes {dimension_semantics = [#tpu.dimension_semantics<core_parallel>, #tpu.dimension_semantics<subcore_parallel>], iteration_bounds = array<i64: 2, 16>, scalar_prefetch = 0 : i64, scratch_operands = 15 : i64, tpu.core_type = #tpu.core_type<sc_vector_subcore>, window_params = [{transform_indices = #map}, {transform_indices = #map1}]} {
    %mul3A = arith.constant 16 : i32
    %mul3A_0 = arith.muli %arg0, %mul3A : i32
    %add3A = arith.addi %mul3A_0, %arg1 : i32
    %broadcast_in_dim3A = arith.constant 1.000000e+00 : f32
    %broadcast_in_dim3A_1 = vector.broadcast %broadcast_in_dim3A : f32 to vector<16xf32>
    %swap3A = arith.constant 0 : index
    %swap3A_2 = tpu.vector_load %arg8[%swap3A] {strides = array<i32>} : memref<128xf32, #tpu.memory_space<vmem>>, vector<16xf32>,
    tpu.vector_store %arg8[%swap3A], %broadcast_in_dim3A_1 {strides = array<i32>} : memref<128xf32, #tpu.memory_space<vmem>>, vector<16xf32>,
    %broadcast_in_dim3A_3 = arith.constant 1.000000e+00 : f32
    %broadcast_in_dim3A_4 = vector.broadcast %broadcast_in_dim3A_3 : f32 to vector<16xf32>
    %swap3A_5 = arith.constant 16 : index
    %swap3A_6 = tpu.vector_load %arg8[%swap3A_5] {strides = array<i32>} : memref<128xf32, #tpu.memory_space<vmem>>, vector<16xf32>,
    tpu.vector_store %arg8[%swap3A_5], %broadcast_in_dim3A_4 {strides = array<i32>} : memref<128xf32, #tpu.memory_space<vmem>>, vector<16xf32>,
    %broadcast_in_dim3A_7 = arith.constant 1.000000e+00 : f32
    %broadcast_in_dim3A_8 = vector.broadcast %broadcast_in_dim3A_7 : f32 to vector<16xf32>
    %swap3A_9 = arith.constant 32 : index
    %swap3A_10 = tpu.vector_load %arg8[%swap3A_9] {strides = array<i32>} : memref<128xf32, #tpu.memory_space<vmem>>, vector<16xf32>,
    tpu.vector_store %arg8[%swap3A_9], %broadcast_in_dim3A_8 {strides = array<i32>} : memref<128xf32, #tpu.memory_space<vmem>>, vector<16xf32>,
    %broadcast_in_dim3A_11 = arith.constant 1.000000e+00 : f32
    %broadcast_in_dim3A_12 = vector.broadcast %broadcast_in_dim3A_11 : f32 to vector<16xf32>
    %swap3A_13 = arith.constant 48 : index
    %swap3A_14 = tpu.vector_load %arg8[%swap3A_13] {strides = array<i32>} : memref<128xf32, #tpu.memory_space<vmem>>, vector<16xf32>,
    tpu.vector_store %arg8[%swap3A_13], %broadcast_in_dim3A_12 {strides = array<i32>} : memref<128xf32, #tpu.memory_space<vmem>>, vector<16xf32>,
    %broadcast_in_dim3A_15 = arith.constant 1.000000e+00 : f32
    %broadcast_in_dim3A_16 = vector.broadcast %broadcast_in_dim3A_15 : f32 to vector<16xf32>
    %swap3A_17 = arith.constant 64 : index
    %swap3A_18 = tpu.vector_load %arg8[%swap3A_17] {strides = array<i32>} : memref<128xf32, #tpu.memory_space<vmem>>, vector<16xf32>,
    tpu.vector_store %arg8[%swap3A_17], %broadcast_in_dim3A_16 {strides = array<i32>} : memref<128xf32, #tpu.memory_space<vmem>>, vector<16xf32>,
    %broadcast_in_dim3A_19 = arith.constant 1.000000e+00 : f32
    %broadcast_in_dim3A_20 = vector.broadcast %broadcast_in_dim3A_19 : f32 to vector<16xf32>
    %swap3A_21 = arith.constant 80 : index
    %swap3A_22 = tpu.vector_load %arg8[%swap3A_21] {strides = array<i32>} : memref<128xf32, #tpu.memory_space<vmem>>, vector<16xf32>,
    tpu.vector_store %arg8[%swap3A_21], %broadcast_in_dim3A_20 {strides = array<i32>} : memref<128xf32, #tpu.memory_space<vmem>>, vector<16xf32>,
    %broadcast_in_dim3A_23 = arith.constant 1.000000e+00 : f32
    %broadcast_in_dim3A_24 = vector.broadcast %broadcast_in_dim3A_23 : f32 to vector<16xf32>
    %swap3A_25 = arith.constant 96 : index
    %swap3A_26 = tpu.vector_load %arg8[%swap3A_25] {strides = array<i32>} : memref<128xf32, #tpu.memory_space<vmem>>, vector<16xf32>,
    tpu.vector_store %arg8[%swap3A_25], %broadcast_in_dim3A_24 {strides = array<i32>} : memref<128xf32, #tpu.memory_space<vmem>>, vector<16xf32>,
    %broadcast_in_dim3A_27 = arith.constant 1.000000e+00 : f32
    %broadcast_in_dim3A_28 = vector.broadcast %broadcast_in_dim3A_27 : f32 to vector<16xf32>
    %swap3A_29 = arith.constant 112 : index
    %swap3A_30 = tpu.vector_load %arg8[%swap3A_29] {strides = array<i32>} : memref<128xf32, #tpu.memory_space<vmem>>, vector<16xf32>,
    tpu.vector_store %arg8[%swap3A_29], %broadcast_in_dim3A_28 {strides = array<i32>} : memref<128xf32, #tpu.memory_space<vmem>>, vector<16xf32>,
    %scan3A = arith.constant 0 : i32
    %scan3A_31 = arith.constant 0 : i32
    %scan3A_32 = arith.constant 300 : i32
    %scan3A_33 = arith.addi %scan3A_31, %scan3A_32 : i32
    %scan3A_34 = arith.constant 1 : i32
    scf.for %scan3A_232 = %scan3A_31 to %scan3A_33 step %scan3A_34  : i32 {
      %broadcast_in_dim3A_233 = arith.constant 0.000000e+00 : f32
      %broadcast_in_dim3A_234 = vector.broadcast %broadcast_in_dim3A_233 : f32 to vector<16xf32>
      %mul3A_235 = arith.constant 16 : i32
      %mul3A_236 = arith.muli %scan3A_232, %mul3A_235 : i32
      %swap3A_237 = arith.index_cast %mul3A_236 : i32 to index
      %swap3A_238 = tpu.vector_load %arg9[%swap3A_237] {strides = array<i32>} : memref<4800xf32, #tpu.memory_space<vmem>>, vector<16xf32>,
      tpu.vector_store %arg9[%swap3A_237], %broadcast_in_dim3A_234 {strides = array<i32>} : memref<4800xf32, #tpu.memory_space<vmem>>, vector<16xf32>,
    }
    %scan3A_35 = arith.constant 300 : i32
    %mul3A_36 = arith.constant 38400 : i32
    %mul3A_37 = arith.muli %arg1, %mul3A_36 : i32
    %add3A_38 = arith.constant 0 : i32
    %add3A_39 = arith.addi %mul3A_37, %add3A_38 : i32
    "tpu.region"() ({
      %run_scoped3A = tpu.sem_alloc : memref<!tpu.dma_semaphore, #tpu.memory_space<semaphore_mem>>
      %dma_start3A_232 = tpu.memref_slice %arg10[%add3A_39] : memref<614656xf32, #tpu.memory_space<vmem_shared>> -> memref<4800xf32, #tpu.memory_space<vmem_shared>>
      %dma_start3A_233 = tpu.memref_slice %arg10[%add3A_39] : memref<614656xf32, #tpu.memory_space<vmem_shared>> -> memref<4800xf32, #tpu.memory_space<vmem_shared>>
      tpu.enqueue_dma source(%arg9 : memref<4800xf32, #tpu.memory_space<vmem>>) target(%dma_start3A_233 : memref<4800xf32, #tpu.memory_space<vmem_shared>>) target_semaphore(%run_scoped3A : memref<!tpu.dma_semaphore, #tpu.memory_space<semaphore_mem>>)
      %dma_wait3A_234 = tpu.memref_slice %arg10[%add3A_39] : memref<614656xf32, #tpu.memory_space<vmem_shared>> -> memref<4800xf32, #tpu.memory_space<vmem_shared>>
      %dma_wait3A_235 = tpu.memref_slice %arg10[%add3A_39] : memref<614656xf32, #tpu.memory_space<vmem_shared>> -> memref<4800xf32, #tpu.memory_space<vmem_shared>>
      tpu.wait_dma2 semaphore(%run_scoped3A : memref<!tpu.dma_semaphore, #tpu.memory_space<semaphore_mem>>) src(%arg9 : memref<4800xf32, #tpu.memory_space<vmem>>) dst(%dma_wait3A_235 : memref<4800xf32, #tpu.memory_space<vmem_shared>>)
      tpu.yield
    }) : () -> ()
    %mul3A_40 = arith.constant 38400 : i32
    %mul3A_41 = arith.muli %arg1, %mul3A_40 : i32
    %add3A_42 = arith.constant 4800 : i32
    %add3A_43 = arith.addi %mul3A_41, %add3A_42 : i32
    "tpu.region"() ({
      %run_scoped3A = tpu.sem_alloc : memref<!tpu.dma_semaphore, #tpu.memory_space<semaphore_mem>>
      %dma_start3A_232 = tpu.memref_slice %arg10[%add3A_43] : memref<614656xf32, #tpu.memory_space<vmem_shared>> -> memref<4800xf32, #tpu.memory_space<vmem_shared>>
      %dma_start3A_233 = tpu.memref_slice %arg10[%add3A_43] : memref<614656xf32, #tpu.memory_space<vmem_shared>> -> memref<4800xf32, #tpu.memory_space<vmem_shared>>
      tpu.enqueue_dma source(%arg9 : memref<4800xf32, #tpu.memory_space<vmem>>) target(%dma_start3A_233 : memref<4800xf32, #tpu.memory_space<vmem_shared>>) target_semaphore(%run_scoped3A : memref<!tpu.dma_semaphore, #tpu.memory_space<semaphore_mem>>)
      %dma_wait3A_234 = tpu.memref_slice %arg10[%add3A_43] : memref<614656xf32, #tpu.memory_space<vmem_shared>> -> memref<4800xf32, #tpu.memory_space<vmem_shared>>
      %dma_wait3A_235 = tpu.memref_slice %arg10[%add3A_43] : memref<614656xf32, #tpu.memory_space<vmem_shared>> -> memref<4800xf32, #tpu.memory_space<vmem_shared>>
      tpu.wait_dma2 semaphore(%run_scoped3A : memref<!tpu.dma_semaphore, #tpu.memory_space<semaphore_mem>>) src(%arg9 : memref<4800xf32, #tpu.memory_space<vmem>>) dst(%dma_wait3A_235 : memref<4800xf32, #tpu.memory_space<vmem_shared>>)
      tpu.yield
    }) : () -> ()
    %mul3A_44 = arith.constant 38400 : i32
    %mul3A_45 = arith.muli %arg1, %mul3A_44 : i32
    %add3A_46 = arith.constant 9600 : i32
    %add3A_47 = arith.addi %mul3A_45, %add3A_46 : i32
    "tpu.region"() ({
      %run_scoped3A = tpu.sem_alloc : memref<!tpu.dma_semaphore, #tpu.memory_space<semaphore_mem>>
      %dma_start3A_232 = tpu.memref_slice %arg10[%add3A_47] : memref<614656xf32, #tpu.memory_space<vmem_shared>> -> memref<4800xf32, #tpu.memory_space<vmem_shared>>
      %dma_start3A_233 = tpu.memref_slice %arg10[%add3A_47] : memref<614656xf32, #tpu.memory_space<vmem_shared>> -> memref<4800xf32, #tpu.memory_space<vmem_shared>>
      tpu.enqueue_dma source(%arg9 : memref<4800xf32, #tpu.memory_space<vmem>>) target(%dma_start3A_233 : memref<4800xf32, #tpu.memory_space<vmem_shared>>) target_semaphore(%run_scoped3A : memref<!tpu.dma_semaphore, #tpu.memory_space<semaphore_mem>>)
      %dma_wait3A_234 = tpu.memref_slice %arg10[%add3A_47] : memref<614656xf32, #tpu.memory_space<vmem_shared>> -> memref<4800xf32, #tpu.memory_space<vmem_shared>>
      %dma_wait3A_235 = tpu.memref_slice %arg10[%add3A_47] : memref<614656xf32, #tpu.memory_space<vmem_shared>> -> memref<4800xf32, #tpu.memory_space<vmem_shared>>
      tpu.wait_dma2 semaphore(%run_scoped3A : memref<!tpu.dma_semaphore, #tpu.memory_space<semaphore_mem>>) src(%arg9 : memref<4800xf32, #tpu.memory_space<vmem>>) dst(%dma_wait3A_235 : memref<4800xf32, #tpu.memory_space<vmem_shared>>)
      tpu.yield
    }) : () -> ()
    %mul3A_48 = arith.constant 38400 : i32
    %mul3A_49 = arith.muli %arg1, %mul3A_48 : i32
    %add3A_50 = arith.constant 14400 : i32
    %add3A_51 = arith.addi %mul3A_49, %add3A_50 : i32
    "tpu.region"() ({
      %run_scoped3A = tpu.sem_alloc : memref<!tpu.dma_semaphore, #tpu.memory_space<semaphore_mem>>
      %dma_start3A_232 = tpu.memref_slice %arg10[%add3A_51] : memref<614656xf32, #tpu.memory_space<vmem_shared>> -> memref<4800xf32, #tpu.memory_space<vmem_shared>>
      %dma_start3A_233 = tpu.memref_slice %arg10[%add3A_51] : memref<614656xf32, #tpu.memory_space<vmem_shared>> -> memref<4800xf32, #tpu.memory_space<vmem_shared>>
      tpu.enqueue_dma source(%arg9 : memref<4800xf32, #tpu.memory_space<vmem>>) target(%dma_start3A_233 : memref<4800xf32, #tpu.memory_space<vmem_shared>>) target_semaphore(%run_scoped3A : memref<!tpu.dma_semaphore, #tpu.memory_space<semaphore_mem>>)
      %dma_wait3A_234 = tpu.memref_slice %arg10[%add3A_51] : memref<614656xf32, #tpu.memory_space<vmem_shared>> -> memref<4800xf32, #tpu.memory_space<vmem_shared>>
      %dma_wait3A_235 = tpu.memref_slice %arg10[%add3A_51] : memref<614656xf32, #tpu.memory_space<vmem_shared>> -> memref<4800xf32, #tpu.memory_space<vmem_shared>>
      tpu.wait_dma2 semaphore(%run_scoped3A : memref<!tpu.dma_semaphore, #tpu.memory_space<semaphore_mem>>) src(%arg9 : memref<4800xf32, #tpu.memory_space<vmem>>) dst(%dma_wait3A_235 : memref<4800xf32, #tpu.memory_space<vmem_shared>>)
      tpu.yield
    }) : () -> ()
    %mul3A_52 = arith.constant 38400 : i32
    %mul3A_53 = arith.muli %arg1, %mul3A_52 : i32
    %add3A_54 = arith.constant 19200 : i32
    %add3A_55 = arith.addi %mul3A_53, %add3A_54 : i32
    "tpu.region"() ({
      %run_scoped3A = tpu.sem_alloc : memref<!tpu.dma_semaphore, #tpu.memory_space<semaphore_mem>>
      %dma_start3A_232 = tpu.memref_slice %arg10[%add3A_55] : memref<614656xf32, #tpu.memory_space<vmem_shared>> -> memref<4800xf32, #tpu.memory_space<vmem_shared>>
      %dma_start3A_233 = tpu.memref_slice %arg10[%add3A_55] : memref<614656xf32, #tpu.memory_space<vmem_shared>> -> memref<4800xf32, #tpu.memory_space<vmem_shared>>
      tpu.enqueue_dma source(%arg9 : memref<4800xf32, #tpu.memory_space<vmem>>) target(%dma_start3A_233 : memref<4800xf32, #tpu.memory_space<vmem_shared>>) target_semaphore(%run_scoped3A : memref<!tpu.dma_semaphore, #tpu.memory_space<semaphore_mem>>)
      %dma_wait3A_234 = tpu.memref_slice %arg10[%add3A_55] : memref<614656xf32, #tpu.memory_space<vmem_shared>> -> memref<4800xf32, #tpu.memory_space<vmem_shared>>
      %dma_wait3A_235 = tpu.memref_slice %arg10[%add3A_55] : memref<614656xf32, #tpu.memory_space<vmem_shared>> -> memref<4800xf32, #tpu.memory_space<vmem_shared>>
      tpu.wait_dma2 semaphore(%run_scoped3A : memref<!tpu.dma_semaphore, #tpu.memory_space<semaphore_mem>>) src(%arg9 : memref<4800xf32, #tpu.memory_space<vmem>>) dst(%dma_wait3A_235 : memref<4800xf32, #tpu.memory_space<vmem_shared>>)
      tpu.yield
    }) : () -> ()
    %mul3A_56 = arith.constant 38400 : i32
    %mul3A_57 = arith.muli %arg1, %mul3A_56 : i32
    %add3A_58 = arith.constant 24000 : i32
    %add3A_59 = arith.addi %mul3A_57, %add3A_58 : i32
    "tpu.region"() ({
      %run_scoped3A = tpu.sem_alloc : memref<!tpu.dma_semaphore, #tpu.memory_space<semaphore_mem>>
      %dma_start3A_232 = tpu.memref_slice %arg10[%add3A_59] : memref<614656xf32, #tpu.memory_space<vmem_shared>> -> memref<4800xf32, #tpu.memory_space<vmem_shared>>
      %dma_start3A_233 = tpu.memref_slice %arg10[%add3A_59] : memref<614656xf32, #tpu.memory_space<vmem_shared>> -> memref<4800xf32, #tpu.memory_space<vmem_shared>>
      tpu.enqueue_dma source(%arg9 : memref<4800xf32, #tpu.memory_space<vmem>>) target(%dma_start3A_233 : memref<4800xf32, #tpu.memory_space<vmem_shared>>) target_semaphore(%run_scoped3A : memref<!tpu.dma_semaphore, #tpu.memory_space<semaphore_mem>>)
      %dma_wait3A_234 = tpu.memref_slice %arg10[%add3A_59] : memref<614656xf32, #tpu.memory_space<vmem_shared>> -> memref<4800xf32, #tpu.memory_space<vmem_shared>>
      %dma_wait3A_235 = tpu.memref_slice %arg10[%add3A_59] : memref<614656xf32, #tpu.memory_space<vmem_shared>> -> memref<4800xf32, #tpu.memory_space<vmem_shared>>
      tpu.wait_dma2 semaphore(%run_scoped3A : memref<!tpu.dma_semaphore, #tpu.memory_space<semaphore_mem>>) src(%arg9 : memref<4800xf32, #tpu.memory_space<vmem>>) dst(%dma_wait3A_235 : memref<4800xf32, #tpu.memory_space<vmem_shared>>)
      tpu.yield
    }) : () -> ()
    %mul3A_60 = arith.constant 38400 : i32
    %mul3A_61 = arith.muli %arg1, %mul3A_60 : i32
    %add3A_62 = arith.constant 28800 : i32
    %add3A_63 = arith.addi %mul3A_61, %add3A_62 : i32
    "tpu.region"() ({
      %run_scoped3A = tpu.sem_alloc : memref<!tpu.dma_semaphore, #tpu.memory_space<semaphore_mem>>
      %dma_start3A_232 = tpu.memref_slice %arg10[%add3A_63] : memref<614656xf32, #tpu.memory_space<vmem_shared>> -> memref<4800xf32, #tpu.memory_space<vmem_shared>>
      %dma_start3A_233 = tpu.memref_slice %arg10[%add3A_63] : memref<614656xf32, #tpu.memory_space<vmem_shared>> -> memref<4800xf32, #tpu.memory_space<vmem_shared>>
      tpu.enqueue_dma source(%arg9 : memref<4800xf32, #tpu.memory_space<vmem>>) target(%dma_start3A_233 : memref<4800xf32, #tpu.memory_space<vmem_shared>>) target_semaphore(%run_scoped3A : memref<!tpu.dma_semaphore, #tpu.memory_space<semaphore_mem>>)
      %dma_wait3A_234 = tpu.memref_slice %arg10[%add3A_63] : memref<614656xf32, #tpu.memory_space<vmem_shared>> -> memref<4800xf32, #tpu.memory_space<vmem_shared>>
      %dma_wait3A_235 = tpu.memref_slice %arg10[%add3A_63] : memref<614656xf32, #tpu.memory_space<vmem_shared>> -> memref<4800xf32, #tpu.memory_space<vmem_shared>>
      tpu.wait_dma2 semaphore(%run_scoped3A : memref<!tpu.dma_semaphore, #tpu.memory_space<semaphore_mem>>) src(%arg9 : memref<4800xf32, #tpu.memory_space<vmem>>) dst(%dma_wait3A_235 : memref<4800xf32, #tpu.memory_space<vmem_shared>>)
      tpu.yield
    }) : () -> ()
    %mul3A_64 = arith.constant 38400 : i32
    %mul3A_65 = arith.muli %arg1, %mul3A_64 : i32
    %add3A_66 = arith.constant 33600 : i32
    %add3A_67 = arith.addi %mul3A_65, %add3A_66 : i32
    "tpu.region"() ({
      %run_scoped3A = tpu.sem_alloc : memref<!tpu.dma_semaphore, #tpu.memory_space<semaphore_mem>>
      %dma_start3A_232 = tpu.memref_slice %arg10[%add3A_67] : memref<614656xf32, #tpu.memory_space<vmem_shared>> -> memref<4800xf32, #tpu.memory_space<vmem_shared>>
      %dma_start3A_233 = tpu.memref_slice %arg10[%add3A_67] : memref<614656xf32, #tpu.memory_space<vmem_shared>> -> memref<4800xf32, #tpu.memory_space<vmem_shared>>
      tpu.enqueue_dma source(%arg9 : memref<4800xf32, #tpu.memory_space<vmem>>) target(%dma_start3A_233 : memref<4800xf32, #tpu.memory_space<vmem_shared>>) target_semaphore(%run_scoped3A : memref<!tpu.dma_semaphore, #tpu.memory_space<semaphore_mem>>)
      %dma_wait3A_234 = tpu.memref_slice %arg10[%add3A_67] : memref<614656xf32, #tpu.memory_space<vmem_shared>> -> memref<4800xf32, #tpu.memory_space<vmem_shared>>
      %dma_wait3A_235 = tpu.memref_slice %arg10[%add3A_67] : memref<614656xf32, #tpu.memory_space<vmem_shared>> -> memref<4800xf32, #tpu.memory_space<vmem_shared>>
      tpu.wait_dma2 semaphore(%run_scoped3A : memref<!tpu.dma_semaphore, #tpu.memory_space<semaphore_mem>>) src(%arg9 : memref<4800xf32, #tpu.memory_space<vmem>>) dst(%dma_wait3A_235 : memref<4800xf32, #tpu.memory_space<vmem_shared>>)
      tpu.yield
    }) : () -> ()
    %barrier3A = arith.constant 0 : index
    tpu.barrier barrier_id(%barrier3A)
    %add3A_68 = arith.constant 0 : i32
    %add3A_69 = arith.addi %add3A, %add3A_68 : i32
    %mul3A_70 = arith.constant 8 : i32
    %mul3A_71 = arith.muli %add3A_69, %mul3A_70 : i32
    %dma_start3A = arith.constant 0 : i32
    %dma_start3A_72 = tpu.memref_slice %arg2[%mul3A_71, %dma_start3A] : memref<8192x128xi32, #tpu.memory_space<hbm>> -> memref<8x128xi32, #tpu.memory_space<hbm>>
    %dma_start3A_73 = arith.constant 0 : i32
    %dma_start3A_74 = tpu.memref_slice %arg2[%mul3A_71, %dma_start3A_73] : memref<8192x128xi32, #tpu.memory_space<hbm>> -> memref<8x128xi32, #tpu.memory_space<hbm>>
    tpu.enqueue_dma source(%dma_start3A_74 : memref<8x128xi32, #tpu.memory_space<hbm>>) target(%arg4 : memref<8x128xi32, #tpu.memory_space<vmem>>) target_semaphore(%arg11 : memref<!tpu.dma_semaphore, #tpu.memory_space<semaphore_mem>>)
    %scan3A_75 = arith.constant 0 : i32
    %scan3A_76 = arith.constant 0 : i32
    %scan3A_77 = arith.constant 8 : i32
    %scan3A_78 = arith.addi %scan3A_76, %scan3A_77 : i32
    %scan3A_79 = arith.constant 1 : i32
    scf.for %scan3A_232 = %scan3A_76 to %scan3A_78 step %scan3A_79  : i32 {
      %mul3A_233 = arith.constant 4 : i32
      %mul3A_234 = arith.muli %scan3A_232, %mul3A_233 : i32
      %add3A_235 = arith.constant 0 : i32
      %add3A_236 = arith.addi %mul3A_234, %add3A_235 : i32
      %ge3A = arith.constant 3 : i32
      %ge3A_237 = arith.cmpi sge, %add3A_236, %ge3A : i32
      %convert_element_type3A = arith.extui %ge3A_237 : i1 to i32
      %cond3A = arith.constant 0 : i32
      %cond3A_238 = arith.cmpi ne, %convert_element_type3A, %cond3A : i32
      scf.if %cond3A_238 {
        %dma_wait3A_513 = arith.constant 0 : i32
        %dma_wait3A_514 = arith.constant 0 : i32
        %dma_wait3A_515 = tpu.memref_slice %arg5[%dma_wait3A_513, %dma_wait3A_514] : memref<8x128xi32, #tpu.memory_space<vmem>> -> memref<1x128xi32, #tpu.memory_space<vmem>>
        %dma_wait3A_516 = tpu.memref_squeeze %dma_wait3A_515 : memref<1x128xi32, #tpu.memory_space<vmem>> -> memref<128xi32, #tpu.memory_space<vmem>>
        %dma_wait3A_517 = arith.constant 0 : i32
        %dma_wait3A_518 = tpu.memref_slice %arg10[%dma_wait3A_517] : memref<614656xf32, #tpu.memory_space<vmem_shared>> -> memref<614656xf32, #tpu.memory_space<vmem_shared>>
        tpu.wait_indirect_dma semaphore(%arg16 : memref<!tpu.dma_semaphore, #tpu.memory_space<semaphore_mem>>) src(%arg8 : memref<128xf32, #tpu.memory_space<vmem>>) dst(%dma_wait3A_518 : memref<614656xf32, #tpu.memory_space<vmem_shared>>)
        %dma_wait3A_519 = arith.constant 1 : i32
        %dma_wait3A_520 = arith.constant 0 : i32
        %dma_wait3A_521 = tpu.memref_slice %arg5[%dma_wait3A_519, %dma_wait3A_520] : memref<8x128xi32, #tpu.memory_space<vmem>> -> memref<1x128xi32, #tpu.memory_space<vmem>>
        %dma_wait3A_522 = tpu.memref_squeeze %dma_wait3A_521 : memref<1x128xi32, #tpu.memory_space<vmem>> -> memref<128xi32, #tpu.memory_space<vmem>>
        %dma_wait3A_523 = arith.constant 0 : i32
        %dma_wait3A_524 = tpu.memref_slice %arg10[%dma_wait3A_523] : memref<614656xf32, #tpu.memory_space<vmem_shared>> -> memref<614656xf32, #tpu.memory_space<vmem_shared>>
        tpu.wait_indirect_dma semaphore(%arg16 : memref<!tpu.dma_semaphore, #tpu.memory_space<semaphore_mem>>) src(%arg8 : memref<128xf32, #tpu.memory_space<vmem>>) dst(%dma_wait3A_524 : memref<614656xf32, #tpu.memory_space<vmem_shared>>)
        %dma_wait3A_525 = arith.constant 2 : i32
        %dma_wait3A_526 = arith.constant 0 : i32
        %dma_wait3A_527 = tpu.memref_slice %arg5[%dma_wait3A_525, %dma_wait3A_526] : memref<8x128xi32, #tpu.memory_space<vmem>> -> memref<1x128xi32, #tpu.memory_space<vmem>>
        %dma_wait3A_528 = tpu.memref_squeeze %dma_wait3A_527 : memref<1x128xi32, #tpu.memory_space<vmem>> -> memref<128xi32, #tpu.memory_space<vmem>>
        %dma_wait3A_529 = arith.constant 0 : i32
        %dma_wait3A_530 = tpu.memref_slice %arg10[%dma_wait3A_529] : memref<614656xf32, #tpu.memory_space<vmem_shared>> -> memref<614656xf32, #tpu.memory_space<vmem_shared>>
        tpu.wait_indirect_dma semaphore(%arg16 : memref<!tpu.dma_semaphore, #tpu.memory_space<semaphore_mem>>) src(%arg8 : memref<128xf32, #tpu.memory_space<vmem>>) dst(%dma_wait3A_530 : memref<614656xf32, #tpu.memory_space<vmem_shared>>)
        %dma_wait3A_531 = arith.constant 3 : i32
        %dma_wait3A_532 = arith.constant 0 : i32
        %dma_wait3A_533 = tpu.memref_slice %arg5[%dma_wait3A_531, %dma_wait3A_532] : memref<8x128xi32, #tpu.memory_space<vmem>> -> memref<1x128xi32, #tpu.memory_space<vmem>>
        %dma_wait3A_534 = tpu.memref_squeeze %dma_wait3A_533 : memref<1x128xi32, #tpu.memory_space<vmem>> -> memref<128xi32, #tpu.memory_space<vmem>>
        %dma_wait3A_535 = arith.constant 0 : i32
        %dma_wait3A_536 = tpu.memref_slice %arg10[%dma_wait3A_535] : memref<614656xf32, #tpu.memory_space<vmem_shared>> -> memref<614656xf32, #tpu.memory_space<vmem_shared>>
        tpu.wait_indirect_dma semaphore(%arg16 : memref<!tpu.dma_semaphore, #tpu.memory_space<semaphore_mem>>) src(%arg8 : memref<128xf32, #tpu.memory_space<vmem>>) dst(%dma_wait3A_536 : memref<614656xf32, #tpu.memory_space<vmem_shared>>)
        %dma_wait3A_537 = arith.constant 4 : i32
        %dma_wait3A_538 = arith.constant 0 : i32
        %dma_wait3A_539 = tpu.memref_slice %arg5[%dma_wait3A_537, %dma_wait3A_538] : memref<8x128xi32, #tpu.memory_space<vmem>> -> memref<1x128xi32, #tpu.memory_space<vmem>>
        %dma_wait3A_540 = tpu.memref_squeeze %dma_wait3A_539 : memref<1x128xi32, #tpu.memory_space<vmem>> -> memref<128xi32, #tpu.memory_space<vmem>>
        %dma_wait3A_541 = arith.constant 0 : i32
        %dma_wait3A_542 = tpu.memref_slice %arg10[%dma_wait3A_541] : memref<614656xf32, #tpu.memory_space<vmem_shared>> -> memref<614656xf32, #tpu.memory_space<vmem_shared>>
        tpu.wait_indirect_dma semaphore(%arg16 : memref<!tpu.dma_semaphore, #tpu.memory_space<semaphore_mem>>) src(%arg8 : memref<128xf32, #tpu.memory_space<vmem>>) dst(%dma_wait3A_542 : memref<614656xf32, #tpu.memory_space<vmem_shared>>)
        %dma_wait3A_543 = arith.constant 5 : i32
        %dma_wait3A_544 = arith.constant 0 : i32
        %dma_wait3A_545 = tpu.memref_slice %arg5[%dma_wait3A_543, %dma_wait3A_544] : memref<8x128xi32, #tpu.memory_space<vmem>> -> memref<1x128xi32, #tpu.memory_space<vmem>>
        %dma_wait3A_546 = tpu.memref_squeeze %dma_wait3A_545 : memref<1x128xi32, #tpu.memory_space<vmem>> -> memref<128xi32, #tpu.memory_space<vmem>>
        %dma_wait3A_547 = arith.constant 0 : i32
        %dma_wait3A_548 = tpu.memref_slice %arg10[%dma_wait3A_547] : memref<614656xf32, #tpu.memory_space<vmem_shared>> -> memref<614656xf32, #tpu.memory_space<vmem_shared>>
        tpu.wait_indirect_dma semaphore(%arg16 : memref<!tpu.dma_semaphore, #tpu.memory_space<semaphore_mem>>) src(%arg8 : memref<128xf32, #tpu.memory_space<vmem>>) dst(%dma_wait3A_548 : memref<614656xf32, #tpu.memory_space<vmem_shared>>)
        %dma_wait3A_549 = arith.constant 6 : i32
        %dma_wait3A_550 = arith.constant 0 : i32
        %dma_wait3A_551 = tpu.memref_slice %arg5[%dma_wait3A_549, %dma_wait3A_550] : memref<8x128xi32, #tpu.memory_space<vmem>> -> memref<1x128xi32, #tpu.memory_space<vmem>>
        %dma_wait3A_552 = tpu.memref_squeeze %dma_wait3A_551 : memref<1x128xi32, #tpu.memory_space<vmem>> -> memref<128xi32, #tpu.memory_space<vmem>>
        %dma_wait3A_553 = arith.constant 0 : i32
        %dma_wait3A_554 = tpu.memref_slice %arg10[%dma_wait3A_553] : memref<614656xf32, #tpu.memory_space<vmem_shared>> -> memref<614656xf32, #tpu.memory_space<vmem_shared>>
        tpu.wait_indirect_dma semaphore(%arg16 : memref<!tpu.dma_semaphore, #tpu.memory_space<semaphore_mem>>) src(%arg8 : memref<128xf32, #tpu.memory_space<vmem>>) dst(%dma_wait3A_554 : memref<614656xf32, #tpu.memory_space<vmem_shared>>)
        %dma_wait3A_555 = arith.constant 7 : i32
        %dma_wait3A_556 = arith.constant 0 : i32
        %dma_wait3A_557 = tpu.memref_slice %arg5[%dma_wait3A_555, %dma_wait3A_556] : memref<8x128xi32, #tpu.memory_space<vmem>> -> memref<1x128xi32, #tpu.memory_space<vmem>>
        %dma_wait3A_558 = tpu.memref_squeeze %dma_wait3A_557 : memref<1x128xi32, #tpu.memory_space<vmem>> -> memref<128xi32, #tpu.memory_space<vmem>>
        %dma_wait3A_559 = arith.constant 0 : i32
        %dma_wait3A_560 = tpu.memref_slice %arg10[%dma_wait3A_559] : memref<614656xf32, #tpu.memory_space<vmem_shared>> -> memref<614656xf32, #tpu.memory_space<vmem_shared>>
        tpu.wait_indirect_dma semaphore(%arg16 : memref<!tpu.dma_semaphore, #tpu.memory_space<semaphore_mem>>) src(%arg8 : memref<128xf32, #tpu.memory_space<vmem>>) dst(%dma_wait3A_560 : memref<614656xf32, #tpu.memory_space<vmem_shared>>)
      } else {
      }
      %lt3A = arith.constant 31 : i32
      %lt3A_239 = arith.cmpi slt, %add3A_236, %lt3A : i32
      %convert_element_type3A_240 = arith.extui %lt3A_239 : i1 to i32
      %cond3A_241 = arith.constant 0 : i32
      %cond3A_242 = arith.cmpi ne, %convert_element_type3A_240, %cond3A_241 : i32
      scf.if %cond3A_242 {
        %add3A_513 = arith.constant 1 : i32
        %add3A_514 = arith.addi %add3A_236, %add3A_513 : i32
        %mul3A_515 = arith.constant 32 : i32
        %mul3A_516 = arith.muli %add3A_514, %mul3A_515 : i32
        %add3A_517 = arith.addi %add3A, %mul3A_516 : i32
        %mul3A_518 = arith.constant 8 : i32
        %mul3A_519 = arith.muli %add3A_517, %mul3A_518 : i32
        %dma_start3A_520 = arith.constant 0 : i32
        %dma_start3A_521 = tpu.memref_slice %arg2[%mul3A_519, %dma_start3A_520] : memref<8192x128xi32, #tpu.memory_space<hbm>> -> memref<8x128xi32, #tpu.memory_space<hbm>>
        %dma_start3A_522 = arith.constant 0 : i32
        %dma_start3A_523 = tpu.memref_slice %arg2[%mul3A_519, %dma_start3A_522] : memref<8192x128xi32, #tpu.memory_space<hbm>> -> memref<8x128xi32, #tpu.memory_space<hbm>>
        tpu.enqueue_dma source(%dma_start3A_523 : memref<8x128xi32, #tpu.memory_space<hbm>>) target(%arg5 : memref<8x128xi32, #tpu.memory_space<vmem>>) target_semaphore(%arg12 : memref<!tpu.dma_semaphore, #tpu.memory_space<semaphore_mem>>)
      } else {
      }
      %mul3A_243 = arith.constant 32 : i32
      %mul3A_244 = arith.muli %add3A_236, %mul3A_243 : i32
      %add3A_245 = arith.addi %add3A, %mul3A_244 : i32
      %mul3A_246 = arith.constant 8 : i32
      %mul3A_247 = arith.muli %add3A_245, %mul3A_246 : i32
      %dma_wait3A_248 = arith.constant 0 : i32
      %dma_wait3A_249 = tpu.memref_slice %arg2[%mul3A_247, %dma_wait3A_248] : memref<8192x128xi32, #tpu.memory_space<hbm>> -> memref<8x128xi32, #tpu.memory_space<hbm>>
      %dma_wait3A_250 = arith.constant 0 : i32
      %dma_wait3A_251 = tpu.memref_slice %arg2[%mul3A_247, %dma_wait3A_250] : memref<8192x128xi32, #tpu.memory_space<hbm>> -> memref<8x128xi32, #tpu.memory_space<hbm>>
      tpu.wait_dma2 semaphore(%arg11 : memref<!tpu.dma_semaphore, #tpu.memory_space<semaphore_mem>>) src(%dma_wait3A_251 : memref<8x128xi32, #tpu.memory_space<hbm>>) dst(%arg4 : memref<8x128xi32, #tpu.memory_space<vmem>>)
      %dma_start3A_252 = arith.constant 0 : i32
      %dma_start3A_253 = arith.constant 0 : i32
      %dma_start3A_254 = tpu.memref_slice %arg4[%dma_start3A_252, %dma_start3A_253] : memref<8x128xi32, #tpu.memory_space<vmem>> -> memref<1x128xi32, #tpu.memory_space<vmem>>
      %dma_start3A_255 = tpu.memref_squeeze %dma_start3A_254 : memref<1x128xi32, #tpu.memory_space<vmem>> -> memref<128xi32, #tpu.memory_space<vmem>>
      %dma_start3A_256 = arith.constant 0 : i32
      %dma_start3A_257 = tpu.memref_slice %arg10[%dma_start3A_256] : memref<614656xf32, #tpu.memory_space<vmem_shared>> -> memref<614656xf32, #tpu.memory_space<vmem_shared>>
      tpu.enqueue_indirect_dma source(%arg8 : memref<128xf32, #tpu.memory_space<vmem>>) target(%dma_start3A_257 : memref<614656xf32, #tpu.memory_space<vmem_shared>>) offsets(%dma_start3A_255 : memref<128xi32, #tpu.memory_space<vmem>>) semaphore(%arg15 : memref<!tpu.dma_semaphore, #tpu.memory_space<semaphore_mem>>)
      %dma_start3A_258 = arith.constant 1 : i32
      %dma_start3A_259 = arith.constant 0 : i32
      %dma_start3A_260 = tpu.memref_slice %arg4[%dma_start3A_258, %dma_start3A_259] : memref<8x128xi32, #tpu.memory_space<vmem>> -> memref<1x128xi32, #tpu.memory_space<vmem>>
      %dma_start3A_261 = tpu.memref_squeeze %dma_start3A_260 : memref<1x128xi32, #tpu.memory_space<vmem>> -> memref<128xi32, #tpu.memory_space<vmem>>
      %dma_start3A_262 = arith.constant 0 : i32
      %dma_start3A_263 = tpu.memref_slice %arg10[%dma_start3A_262] : memref<614656xf32, #tpu.memory_space<vmem_shared>> -> memref<614656xf32, #tpu.memory_space<vmem_shared>>
      tpu.enqueue_indirect_dma source(%arg8 : memref<128xf32, #tpu.memory_space<vmem>>) target(%dma_start3A_263 : memref<614656xf32, #tpu.memory_space<vmem_shared>>) offsets(%dma_start3A_261 : memref<128xi32, #tpu.memory_space<vmem>>) semaphore(%arg15 : memref<!tpu.dma_semaphore, #tpu.memory_space<semaphore_mem>>)
      %dma_start3A_264 = arith.constant 2 : i32
      %dma_start3A_265 = arith.constant 0 : i32
      %dma_start3A_266 = tpu.memref_slice %arg4[%dma_start3A_264, %dma_start3A_265] : memref<8x128xi32, #tpu.memory_space<vmem>> -> memref<1x128xi32, #tpu.memory_space<vmem>>
      %dma_start3A_267 = tpu.memref_squeeze %dma_start3A_266 : memref<1x128xi32, #tpu.memory_space<vmem>> -> memref<128xi32, #tpu.memory_space<vmem>>
      %dma_start3A_268 = arith.constant 0 : i32
      %dma_start3A_269 = tpu.memref_slice %arg10[%dma_start3A_268] : memref<614656xf32, #tpu.memory_space<vmem_shared>> -> memref<614656xf32, #tpu.memory_space<vmem_shared>>
      tpu.enqueue_indirect_dma source(%arg8 : memref<128xf32, #tpu.memory_space<vmem>>) target(%dma_start3A_269 : memref<614656xf32, #tpu.memory_space<vmem_shared>>) offsets(%dma_start3A_267 : memref<128xi32, #tpu.memory_space<vmem>>) semaphore(%arg15 : memref<!tpu.dma_semaphore, #tpu.memory_space<semaphore_mem>>)
      %dma_start3A_270 = arith.constant 3 : i32
      %dma_start3A_271 = arith.constant 0 : i32
      %dma_start3A_272 = tpu.memref_slice %arg4[%dma_start3A_270, %dma_start3A_271] : memref<8x128xi32, #tpu.memory_space<vmem>> -> memref<1x128xi32, #tpu.memory_space<vmem>>
      %dma_start3A_273 = tpu.memref_squeeze %dma_start3A_272 : memref<1x128xi32, #tpu.memory_space<vmem>> -> memref<128xi32, #tpu.memory_space<vmem>>
      %dma_start3A_274 = arith.constant 0 : i32
      %dma_start3A_275 = tpu.memref_slice %arg10[%dma_start3A_274] : memref<614656xf32, #tpu.memory_space<vmem_shared>> -> memref<614656xf32, #tpu.memory_space<vmem_shared>>
      tpu.enqueue_indirect_dma source(%arg8 : memref<128xf32, #tpu.memory_space<vmem>>) target(%dma_start3A_275 : memref<614656xf32, #tpu.memory_space<vmem_shared>>) offsets(%dma_start3A_273 : memref<128xi32, #tpu.memory_space<vmem>>) semaphore(%arg15 : memref<!tpu.dma_semaphore, #tpu.memory_space<semaphore_mem>>)
      %dma_start3A_276 = arith.constant 4 : i32
      %dma_start3A_277 = arith.constant 0 : i32
      %dma_start3A_278 = tpu.memref_slice %arg4[%dma_start3A_276, %dma_start3A_277] : memref<8x128xi32, #tpu.memory_space<vmem>> -> memref<1x128xi32, #tpu.memory_space<vmem>>
      %dma_start3A_279 = tpu.memref_squeeze %dma_start3A_278 : memref<1x128xi32, #tpu.memory_space<vmem>> -> memref<128xi32, #tpu.memory_space<vmem>>
      %dma_start3A_280 = arith.constant 0 : i32
      %dma_start3A_281 = tpu.memref_slice %arg10[%dma_start3A_280] : memref<614656xf32, #tpu.memory_space<vmem_shared>> -> memref<614656xf32, #tpu.memory_space<vmem_shared>>
      tpu.enqueue_indirect_dma source(%arg8 : memref<128xf32, #tpu.memory_space<vmem>>) target(%dma_start3A_281 : memref<614656xf32, #tpu.memory_space<vmem_shared>>) offsets(%dma_start3A_279 : memref<128xi32, #tpu.memory_space<vmem>>) semaphore(%arg15 : memref<!tpu.dma_semaphore, #tpu.memory_space<semaphore_mem>>)
      %dma_start3A_282 = arith.constant 5 : i32
      %dma_start3A_283 = arith.constant 0 : i32
      %dma_start3A_284 = tpu.memref_slice %arg4[%dma_start3A_282, %dma_start3A_283] : memref<8x128xi32, #tpu.memory_space<vmem>> -> memref<1x128xi32, #tpu.memory_space<vmem>>
      %dma_start3A_285 = tpu.memref_squeeze %dma_start3A_284 : memref<1x128xi32, #tpu.memory_space<vmem>> -> memref<128xi32, #tpu.memory_space<vmem>>
      %dma_start3A_286 = arith.constant 0 : i32
      %dma_start3A_287 = tpu.memref_slice %arg10[%dma_start3A_286] : memref<614656xf32, #tpu.memory_space<vmem_shared>> -> memref<614656xf32, #tpu.memory_space<vmem_shared>>
      tpu.enqueue_indirect_dma source(%arg8 : memref<128xf32, #tpu.memory_space<vmem>>) target(%dma_start3A_287 : memref<614656xf32, #tpu.memory_space<vmem_shared>>) offsets(%dma_start3A_285 : memref<128xi32, #tpu.memory_space<vmem>>) semaphore(%arg15 : memref<!tpu.dma_semaphore, #tpu.memory_space<semaphore_mem>>)
      %dma_start3A_288 = arith.constant 6 : i32
      %dma_start3A_289 = arith.constant 0 : i32
      %dma_start3A_290 = tpu.memref_slice %arg4[%dma_start3A_288, %dma_start3A_289] : memref<8x128xi32, #tpu.memory_space<vmem>> -> memref<1x128xi32, #tpu.memory_space<vmem>>
      %dma_start3A_291 = tpu.memref_squeeze %dma_start3A_290 : memref<1x128xi32, #tpu.memory_space<vmem>> -> memref<128xi32, #tpu.memory_space<vmem>>
      %dma_start3A_292 = arith.constant 0 : i32
      %dma_start3A_293 = tpu.memref_slice %arg10[%dma_start3A_292] : memref<614656xf32, #tpu.memory_space<vmem_shared>> -> memref<614656xf32, #tpu.memory_space<vmem_shared>>
      tpu.enqueue_indirect_dma source(%arg8 : memref<128xf32, #tpu.memory_space<vmem>>) target(%dma_start3A_293 : memref<614656xf32, #tpu.memory_space<vmem_shared>>) offsets(%dma_start3A_291 : memref<128xi32, #tpu.memory_space<vmem>>) semaphore(%arg15 : memref<!tpu.dma_semaphore, #tpu.memory_space<semaphore_mem>>)
      %dma_start3A_294 = arith.constant 7 : i32
      %dma_start3A_295 = arith.constant 0 : i32
      %dma_start3A_296 = tpu.memref_slice %arg4[%dma_start3A_294, %dma_start3A_295] : memref<8x128xi32, #tpu.memory_space<vmem>> -> memref<1x128xi32, #tpu.memory_space<vmem>>
      %dma_start3A_297 = tpu.memref_squeeze %dma_start3A_296 : memref<1x128xi32, #tpu.memory_space<vmem>> -> memref<128xi32, #tpu.memory_space<vmem>>
      %dma_start3A_298 = arith.constant 0 : i32
      %dma_start3A_299 = tpu.memref_slice %arg10[%dma_start3A_298] : memref<614656xf32, #tpu.memory_space<vmem_shared>> -> memref<614656xf32, #tpu.memory_space<vmem_shared>>
      tpu.enqueue_indirect_dma source(%arg8 : memref<128xf32, #tpu.memory_space<vmem>>) target(%dma_start3A_299 : memref<614656xf32, #tpu.memory_space<vmem_shared>>) offsets(%dma_start3A_297 : memref<128xi32, #tpu.memory_space<vmem>>) semaphore(%arg15 : memref<!tpu.dma_semaphore, #tpu.memory_space<semaphore_mem>>)
      %mul3A_300 = arith.constant 4 : i32
      %mul3A_301 = arith.muli %scan3A_232, %mul3A_300 : i32
      %add3A_302 = arith.constant 1 : i32
      %add3A_303 = arith.addi %mul3A_301, %add3A_302 : i32
      %ge3A_304 = arith.constant 3 : i32
      %ge3A_305 = arith.cmpi sge, %add3A_303, %ge3A_304 : i32
      %convert_element_type3A_306 = arith.extui %ge3A_305 : i1 to i32
      %cond3A_307 = arith.constant 0 : i32
      %cond3A_308 = arith.cmpi ne, %convert_element_type3A_306, %cond3A_307 : i32
      scf.if %cond3A_308 {
        %dma_wait3A_513 = arith.constant 0 : i32
        %dma_wait3A_514 = arith.constant 0 : i32
        %dma_wait3A_515 = tpu.memref_slice %arg6[%dma_wait3A_513, %dma_wait3A_514] : memref<8x128xi32, #tpu.memory_space<vmem>> -> memref<1x128xi32, #tpu.memory_space<vmem>>
        %dma_wait3A_516 = tpu.memref_squeeze %dma_wait3A_515 : memref<1x128xi32, #tpu.memory_space<vmem>> -> memref<128xi32, #tpu.memory_space<vmem>>
        %dma_wait3A_517 = arith.constant 0 : i32
        %dma_wait3A_518 = tpu.memref_slice %arg10[%dma_wait3A_517] : memref<614656xf32, #tpu.memory_space<vmem_shared>> -> memref<614656xf32, #tpu.memory_space<vmem_shared>>
        tpu.wait_indirect_dma semaphore(%arg17 : memref<!tpu.dma_semaphore, #tpu.memory_space<semaphore_mem>>) src(%arg8 : memref<128xf32, #tpu.memory_space<vmem>>) dst(%dma_wait3A_518 : memref<614656xf32, #tpu.memory_space<vmem_shared>>)
        %dma_wait3A_519 = arith.constant 1 : i32
        %dma_wait3A_520 = arith.constant 0 : i32
        %dma_wait3A_521 = tpu.memref_slice %arg6[%dma_wait3A_519, %dma_wait3A_520] : memref<8x128xi32, #tpu.memory_space<vmem>> -> memref<1x128xi32, #tpu.memory_space<vmem>>
        %dma_wait3A_522 = tpu.memref_squeeze %dma_wait3A_521 : memref<1x128xi32, #tpu.memory_space<vmem>> -> memref<128xi32, #tpu.memory_space<vmem>>
        %dma_wait3A_523 = arith.constant 0 : i32
        %dma_wait3A_524 = tpu.memref_slice %arg10[%dma_wait3A_523] : memref<614656xf32, #tpu.memory_space<vmem_shared>> -> memref<614656xf32, #tpu.memory_space<vmem_shared>>
        tpu.wait_indirect_dma semaphore(%arg17 : memref<!tpu.dma_semaphore, #tpu.memory_space<semaphore_mem>>) src(%arg8 : memref<128xf32, #tpu.memory_space<vmem>>) dst(%dma_wait3A_524 : memref<614656xf32, #tpu.memory_space<vmem_shared>>)
        %dma_wait3A_525 = arith.constant 2 : i32
        %dma_wait3A_526 = arith.constant 0 : i32
        %dma_wait3A_527 = tpu.memref_slice %arg6[%dma_wait3A_525, %dma_wait3A_526] : memref<8x128xi32, #tpu.memory_space<vmem>> -> memref<1x128xi32, #tpu.memory_space<vmem>>
        %dma_wait3A_528 = tpu.memref_squeeze %dma_wait3A_527 : memref<1x128xi32, #tpu.memory_space<vmem>> -> memref<128xi32, #tpu.memory_space<vmem>>
        %dma_wait3A_529 = arith.constant 0 : i32
        %dma_wait3A_530 = tpu.memref_slice %arg10[%dma_wait3A_529] : memref<614656xf32, #tpu.memory_space<vmem_shared>> -> memref<614656xf32, #tpu.memory_space<vmem_shared>>
        tpu.wait_indirect_dma semaphore(%arg17 : memref<!tpu.dma_semaphore, #tpu.memory_space<semaphore_mem>>) src(%arg8 : memref<128xf32, #tpu.memory_space<vmem>>) dst(%dma_wait3A_530 : memref<614656xf32, #tpu.memory_space<vmem_shared>>)
        %dma_wait3A_531 = arith.constant 3 : i32
        %dma_wait3A_532 = arith.constant 0 : i32
        %dma_wait3A_533 = tpu.memref_slice %arg6[%dma_wait3A_531, %dma_wait3A_532] : memref<8x128xi32, #tpu.memory_space<vmem>> -> memref<1x128xi32, #tpu.memory_space<vmem>>
        %dma_wait3A_534 = tpu.memref_squeeze %dma_wait3A_533 : memref<1x128xi32, #tpu.memory_space<vmem>> -> memref<128xi32, #tpu.memory_space<vmem>>
        %dma_wait3A_535 = arith.constant 0 : i32
        %dma_wait3A_536 = tpu.memref_slice %arg10[%dma_wait3A_535] : memref<614656xf32, #tpu.memory_space<vmem_shared>> -> memref<614656xf32, #tpu.memory_space<vmem_shared>>
        tpu.wait_indirect_dma semaphore(%arg17 : memref<!tpu.dma_semaphore, #tpu.memory_space<semaphore_mem>>) src(%arg8 : memref<128xf32, #tpu.memory_space<vmem>>) dst(%dma_wait3A_536 : memref<614656xf32, #tpu.memory_space<vmem_shared>>)
        %dma_wait3A_537 = arith.constant 4 : i32
        %dma_wait3A_538 = arith.constant 0 : i32
        %dma_wait3A_539 = tpu.memref_slice %arg6[%dma_wait3A_537, %dma_wait3A_538] : memref<8x128xi32, #tpu.memory_space<vmem>> -> memref<1x128xi32, #tpu.memory_space<vmem>>
        %dma_wait3A_540 = tpu.memref_squeeze %dma_wait3A_539 : memref<1x128xi32, #tpu.memory_space<vmem>> -> memref<128xi32, #tpu.memory_space<vmem>>
        %dma_wait3A_541 = arith.constant 0 : i32
        %dma_wait3A_542 = tpu.memref_slice %arg10[%dma_wait3A_541] : memref<614656xf32, #tpu.memory_space<vmem_shared>> -> memref<614656xf32, #tpu.memory_space<vmem_shared>>
        tpu.wait_indirect_dma semaphore(%arg17 : memref<!tpu.dma_semaphore, #tpu.memory_space<semaphore_mem>>) src(%arg8 : memref<128xf32, #tpu.memory_space<vmem>>) dst(%dma_wait3A_542 : memref<614656xf32, #tpu.memory_space<vmem_shared>>)
        %dma_wait3A_543 = arith.constant 5 : i32
        %dma_wait3A_544 = arith.constant 0 : i32
        %dma_wait3A_545 = tpu.memref_slice %arg6[%dma_wait3A_543, %dma_wait3A_544] : memref<8x128xi32, #tpu.memory_space<vmem>> -> memref<1x128xi32, #tpu.memory_space<vmem>>
        %dma_wait3A_546 = tpu.memref_squeeze %dma_wait3A_545 : memref<1x128xi32, #tpu.memory_space<vmem>> -> memref<128xi32, #tpu.memory_space<vmem>>
        %dma_wait3A_547 = arith.constant 0 : i32
        %dma_wait3A_548 = tpu.memref_slice %arg10[%dma_wait3A_547] : memref<614656xf32, #tpu.memory_space<vmem_shared>> -> memref<614656xf32, #tpu.memory_space<vmem_shared>>
        tpu.wait_indirect_dma semaphore(%arg17 : memref<!tpu.dma_semaphore, #tpu.memory_space<semaphore_mem>>) src(%arg8 : memref<128xf32, #tpu.memory_space<vmem>>) dst(%dma_wait3A_548 : memref<614656xf32, #tpu.memory_space<vmem_shared>>)
        %dma_wait3A_549 = arith.constant 6 : i32
        %dma_wait3A_550 = arith.constant 0 : i32
        %dma_wait3A_551 = tpu.memref_slice %arg6[%dma_wait3A_549, %dma_wait3A_550] : memref<8x128xi32, #tpu.memory_space<vmem>> -> memref<1x128xi32, #tpu.memory_space<vmem>>
        %dma_wait3A_552 = tpu.memref_squeeze %dma_wait3A_551 : memref<1x128xi32, #tpu.memory_space<vmem>> -> memref<128xi32, #tpu.memory_space<vmem>>
        %dma_wait3A_553 = arith.constant 0 : i32
        %dma_wait3A_554 = tpu.memref_slice %arg10[%dma_wait3A_553] : memref<614656xf32, #tpu.memory_space<vmem_shared>> -> memref<614656xf32, #tpu.memory_space<vmem_shared>>
        tpu.wait_indirect_dma semaphore(%arg17 : memref<!tpu.dma_semaphore, #tpu.memory_space<semaphore_mem>>) src(%arg8 : memref<128xf32, #tpu.memory_space<vmem>>) dst(%dma_wait3A_554 : memref<614656xf32, #tpu.memory_space<vmem_shared>>)
        %dma_wait3A_555 = arith.constant 7 : i32
        %dma_wait3A_556 = arith.constant 0 : i32
        %dma_wait3A_557 = tpu.memref_slice %arg6[%dma_wait3A_555, %dma_wait3A_556] : memref<8x128xi32, #tpu.memory_space<vmem>> -> memref<1x128xi32, #tpu.memory_space<vmem>>
        %dma_wait3A_558 = tpu.memref_squeeze %dma_wait3A_557 : memref<1x128xi32, #tpu.memory_space<vmem>> -> memref<128xi32, #tpu.memory_space<vmem>>
        %dma_wait3A_559 = arith.constant 0 : i32
        %dma_wait3A_560 = tpu.memref_slice %arg10[%dma_wait3A_559] : memref<614656xf32, #tpu.memory_space<vmem_shared>> -> memref<614656xf32, #tpu.memory_space<vmem_shared>>
        tpu.wait_indirect_dma semaphore(%arg17 : memref<!tpu.dma_semaphore, #tpu.memory_space<semaphore_mem>>) src(%arg8 : memref<128xf32, #tpu.memory_space<vmem>>) dst(%dma_wait3A_560 : memref<614656xf32, #tpu.memory_space<vmem_shared>>)
      } else {
      }
      %lt3A_309 = arith.constant 31 : i32
      %lt3A_310 = arith.cmpi slt, %add3A_303, %lt3A_309 : i32
      %convert_element_type3A_311 = arith.extui %lt3A_310 : i1 to i32
      %cond3A_312 = arith.constant 0 : i32
      %cond3A_313 = arith.cmpi ne, %convert_element_type3A_311, %cond3A_312 : i32
      scf.if %cond3A_313 {
        %add3A_513 = arith.constant 1 : i32
        %add3A_514 = arith.addi %add3A_303, %add3A_513 : i32
        %mul3A_515 = arith.constant 32 : i32
        %mul3A_516 = arith.muli %add3A_514, %mul3A_515 : i32
        %add3A_517 = arith.addi %add3A, %mul3A_516 : i32
        %mul3A_518 = arith.constant 8 : i32
        %mul3A_519 = arith.muli %add3A_517, %mul3A_518 : i32
        %dma_start3A_520 = arith.constant 0 : i32
        %dma_start3A_521 = tpu.memref_slice %arg2[%mul3A_519, %dma_start3A_520] : memref<8192x128xi32, #tpu.memory_space<hbm>> -> memref<8x128xi32, #tpu.memory_space<hbm>>
        %dma_start3A_522 = arith.constant 0 : i32
        %dma_start3A_523 = tpu.memref_slice %arg2[%mul3A_519, %dma_start3A_522] : memref<8192x128xi32, #tpu.memory_space<hbm>> -> memref<8x128xi32, #tpu.memory_space<hbm>>
        tpu.enqueue_dma source(%dma_start3A_523 : memref<8x128xi32, #tpu.memory_space<hbm>>) target(%arg6 : memref<8x128xi32, #tpu.memory_space<vmem>>) target_semaphore(%arg13 : memref<!tpu.dma_semaphore, #tpu.memory_space<semaphore_mem>>)
      } else {
      }
      %mul3A_314 = arith.constant 32 : i32
      %mul3A_315 = arith.muli %add3A_303, %mul3A_314 : i32
      %add3A_316 = arith.addi %add3A, %mul3A_315 : i32
      %mul3A_317 = arith.constant 8 : i32
      %mul3A_318 = arith.muli %add3A_316, %mul3A_317 : i32
      %dma_wait3A_319 = arith.constant 0 : i32
      %dma_wait3A_320 = tpu.memref_slice %arg2[%mul3A_318, %dma_wait3A_319] : memref<8192x128xi32, #tpu.memory_space<hbm>> -> memref<8x128xi32, #tpu.memory_space<hbm>>
      %dma_wait3A_321 = arith.constant 0 : i32
      %dma_wait3A_322 = tpu.memref_slice %arg2[%mul3A_318, %dma_wait3A_321] : memref<8192x128xi32, #tpu.memory_space<hbm>> -> memref<8x128xi32, #tpu.memory_space<hbm>>
      tpu.wait_dma2 semaphore(%arg12 : memref<!tpu.dma_semaphore, #tpu.memory_space<semaphore_mem>>) src(%dma_wait3A_322 : memref<8x128xi32, #tpu.memory_space<hbm>>) dst(%arg5 : memref<8x128xi32, #tpu.memory_space<vmem>>)
      %dma_start3A_323 = arith.constant 0 : i32
      %dma_start3A_324 = arith.constant 0 : i32
      %dma_start3A_325 = tpu.memref_slice %arg5[%dma_start3A_323, %dma_start3A_324] : memref<8x128xi32, #tpu.memory_space<vmem>> -> memref<1x128xi32, #tpu.memory_space<vmem>>
      %dma_start3A_326 = tpu.memref_squeeze %dma_start3A_325 : memref<1x128xi32, #tpu.memory_space<vmem>> -> memref<128xi32, #tpu.memory_space<vmem>>
      %dma_start3A_327 = arith.constant 0 : i32
      %dma_start3A_328 = tpu.memref_slice %arg10[%dma_start3A_327] : memref<614656xf32, #tpu.memory_space<vmem_shared>> -> memref<614656xf32, #tpu.memory_space<vmem_shared>>
      tpu.enqueue_indirect_dma source(%arg8 : memref<128xf32, #tpu.memory_space<vmem>>) target(%dma_start3A_328 : memref<614656xf32, #tpu.memory_space<vmem_shared>>) offsets(%dma_start3A_326 : memref<128xi32, #tpu.memory_space<vmem>>) semaphore(%arg16 : memref<!tpu.dma_semaphore, #tpu.memory_space<semaphore_mem>>)
      %dma_start3A_329 = arith.constant 1 : i32
      %dma_start3A_330 = arith.constant 0 : i32
      %dma_start3A_331 = tpu.memref_slice %arg5[%dma_start3A_329, %dma_start3A_330] : memref<8x128xi32, #tpu.memory_space<vmem>> -> memref<1x128xi32, #tpu.memory_space<vmem>>
      %dma_start3A_332 = tpu.memref_squeeze %dma_start3A_331 : memref<1x128xi32, #tpu.memory_space<vmem>> -> memref<128xi32, #tpu.memory_space<vmem>>
      %dma_start3A_333 = arith.constant 0 : i32
      %dma_start3A_334 = tpu.memref_slice %arg10[%dma_start3A_333] : memref<614656xf32, #tpu.memory_space<vmem_shared>> -> memref<614656xf32, #tpu.memory_space<vmem_shared>>
      tpu.enqueue_indirect_dma source(%arg8 : memref<128xf32, #tpu.memory_space<vmem>>) target(%dma_start3A_334 : memref<614656xf32, #tpu.memory_space<vmem_shared>>) offsets(%dma_start3A_332 : memref<128xi32, #tpu.memory_space<vmem>>) semaphore(%arg16 : memref<!tpu.dma_semaphore, #tpu.memory_space<semaphore_mem>>)
      %dma_start3A_335 = arith.constant 2 : i32
      %dma_start3A_336 = arith.constant 0 : i32
      %dma_start3A_337 = tpu.memref_slice %arg5[%dma_start3A_335, %dma_start3A_336] : memref<8x128xi32, #tpu.memory_space<vmem>> -> memref<1x128xi32, #tpu.memory_space<vmem>>
      %dma_start3A_338 = tpu.memref_squeeze %dma_start3A_337 : memref<1x128xi32, #tpu.memory_space<vmem>> -> memref<128xi32, #tpu.memory_space<vmem>>
      %dma_start3A_339 = arith.constant 0 : i32
      %dma_start3A_340 = tpu.memref_slice %arg10[%dma_start3A_339] : memref<614656xf32, #tpu.memory_space<vmem_shared>> -> memref<614656xf32, #tpu.memory_space<vmem_shared>>
      tpu.enqueue_indirect_dma source(%arg8 : memref<128xf32, #tpu.memory_space<vmem>>) target(%dma_start3A_340 : memref<614656xf32, #tpu.memory_space<vmem_shared>>) offsets(%dma_start3A_338 : memref<128xi32, #tpu.memory_space<vmem>>) semaphore(%arg16 : memref<!tpu.dma_semaphore, #tpu.memory_space<semaphore_mem>>)
      %dma_start3A_341 = arith.constant 3 : i32
      %dma_start3A_342 = arith.constant 0 : i32
      %dma_start3A_343 = tpu.memref_slice %arg5[%dma_start3A_341, %dma_start3A_342] : memref<8x128xi32, #tpu.memory_space<vmem>> -> memref<1x128xi32, #tpu.memory_space<vmem>>
      %dma_start3A_344 = tpu.memref_squeeze %dma_start3A_343 : memref<1x128xi32, #tpu.memory_space<vmem>> -> memref<128xi32, #tpu.memory_space<vmem>>
      %dma_start3A_345 = arith.constant 0 : i32
      %dma_start3A_346 = tpu.memref_slice %arg10[%dma_start3A_345] : memref<614656xf32, #tpu.memory_space<vmem_shared>> -> memref<614656xf32, #tpu.memory_space<vmem_shared>>
      tpu.enqueue_indirect_dma source(%arg8 : memref<128xf32, #tpu.memory_space<vmem>>) target(%dma_start3A_346 : memref<614656xf32, #tpu.memory_space<vmem_shared>>) offsets(%dma_start3A_344 : memref<128xi32, #tpu.memory_space<vmem>>) semaphore(%arg16 : memref<!tpu.dma_semaphore, #tpu.memory_space<semaphore_mem>>)
      %dma_start3A_347 = arith.constant 4 : i32
      %dma_start3A_348 = arith.constant 0 : i32
      %dma_start3A_349 = tpu.memref_slice %arg5[%dma_start3A_347, %dma_start3A_348] : memref<8x128xi32, #tpu.memory_space<vmem>> -> memref<1x128xi32, #tpu.memory_space<vmem>>
      %dma_start3A_350 = tpu.memref_squeeze %dma_start3A_349 : memref<1x128xi32, #tpu.memory_space<vmem>> -> memref<128xi32, #tpu.memory_space<vmem>>
      %dma_start3A_351 = arith.constant 0 : i32
      %dma_start3A_352 = tpu.memref_slice %arg10[%dma_start3A_351] : memref<614656xf32, #tpu.memory_space<vmem_shared>> -> memref<614656xf32, #tpu.memory_space<vmem_shared>>
      tpu.enqueue_indirect_dma source(%arg8 : memref<128xf32, #tpu.memory_space<vmem>>) target(%dma_start3A_352 : memref<614656xf32, #tpu.memory_space<vmem_shared>>) offsets(%dma_start3A_350 : memref<128xi32, #tpu.memory_space<vmem>>) semaphore(%arg16 : memref<!tpu.dma_semaphore, #tpu.memory_space<semaphore_mem>>)
      %dma_start3A_353 = arith.constant 5 : i32
      %dma_start3A_354 = arith.constant 0 : i32
      %dma_start3A_355 = tpu.memref_slice %arg5[%dma_start3A_353, %dma_start3A_354] : memref<8x128xi32, #tpu.memory_space<vmem>> -> memref<1x128xi32, #tpu.memory_space<vmem>>
      %dma_start3A_356 = tpu.memref_squeeze %dma_start3A_355 : memref<1x128xi32, #tpu.memory_space<vmem>> -> memref<128xi32, #tpu.memory_space<vmem>>
      %dma_start3A_357 = arith.constant 0 : i32
      %dma_start3A_358 = tpu.memref_slice %arg10[%dma_start3A_357] : memref<614656xf32, #tpu.memory_space<vmem_shared>> -> memref<614656xf32, #tpu.memory_space<vmem_shared>>
      tpu.enqueue_indirect_dma source(%arg8 : memref<128xf32, #tpu.memory_space<vmem>>) target(%dma_start3A_358 : memref<614656xf32, #tpu.memory_space<vmem_shared>>) offsets(%dma_start3A_356 : memref<128xi32, #tpu.memory_space<vmem>>) semaphore(%arg16 : memref<!tpu.dma_semaphore, #tpu.memory_space<semaphore_mem>>)
      %dma_start3A_359 = arith.constant 6 : i32
      %dma_start3A_360 = arith.constant 0 : i32
      %dma_start3A_361 = tpu.memref_slice %arg5[%dma_start3A_359, %dma_start3A_360] : memref<8x128xi32, #tpu.memory_space<vmem>> -> memref<1x128xi32, #tpu.memory_space<vmem>>
      %dma_start3A_362 = tpu.memref_squeeze %dma_start3A_361 : memref<1x128xi32, #tpu.memory_space<vmem>> -> memref<128xi32, #tpu.memory_space<vmem>>
      %dma_start3A_363 = arith.constant 0 : i32
      %dma_start3A_364 = tpu.memref_slice %arg10[%dma_start3A_363] : memref<614656xf32, #tpu.memory_space<vmem_shared>> -> memref<614656xf32, #tpu.memory_space<vmem_shared>>
      tpu.enqueue_indirect_dma source(%arg8 : memref<128xf32, #tpu.memory_space<vmem>>) target(%dma_start3A_364 : memref<614656xf32, #tpu.memory_space<vmem_shared>>) offsets(%dma_start3A_362 : memref<128xi32, #tpu.memory_space<vmem>>) semaphore(%arg16 : memref<!tpu.dma_semaphore, #tpu.memory_space<semaphore_mem>>)
      %dma_start3A_365 = arith.constant 7 : i32
      %dma_start3A_366 = arith.constant 0 : i32
      %dma_start3A_367 = tpu.memref_slice %arg5[%dma_start3A_365, %dma_start3A_366] : memref<8x128xi32, #tpu.memory_space<vmem>> -> memref<1x128xi32, #tpu.memory_space<vmem>>
      %dma_start3A_368 = tpu.memref_squeeze %dma_start3A_367 : memref<1x128xi32, #tpu.memory_space<vmem>> -> memref<128xi32, #tpu.memory_space<vmem>>
      %dma_start3A_369 = arith.constant 0 : i32
      %dma_start3A_370 = tpu.memref_slice %arg10[%dma_start3A_369] : memref<614656xf32, #tpu.memory_space<vmem_shared>> -> memref<614656xf32, #tpu.memory_space<vmem_shared>>
      tpu.enqueue_indirect_dma source(%arg8 : memref<128xf32, #tpu.memory_space<vmem>>) target(%dma_start3A_370 : memref<614656xf32, #tpu.memory_space<vmem_shared>>) offsets(%dma_start3A_368 : memref<128xi32, #tpu.memory_space<vmem>>) semaphore(%arg16 : memref<!tpu.dma_semaphore, #tpu.memory_space<semaphore_mem>>)
      %mul3A_371 = arith.constant 4 : i32
      %mul3A_372 = arith.muli %scan3A_232, %mul3A_371 : i32
      %add3A_373 = arith.constant 2 : i32
      %add3A_374 = arith.addi %mul3A_372, %add3A_373 : i32
      %ge3A_375 = arith.constant 3 : i32
      %ge3A_376 = arith.cmpi sge, %add3A_374, %ge3A_375 : i32
      %convert_element_type3A_377 = arith.extui %ge3A_376 : i1 to i32
      %cond3A_378 = arith.constant 0 : i32
      %cond3A_379 = arith.cmpi ne, %convert_element_type3A_377, %cond3A_378 : i32
      scf.if %cond3A_379 {
        %dma_wait3A_513 = arith.constant 0 : i32
        %dma_wait3A_514 = arith.constant 0 : i32
        %dma_wait3A_515 = tpu.memref_slice %arg7[%dma_wait3A_513, %dma_wait3A_514] : memref<8x128xi32, #tpu.memory_space<vmem>> -> memref<1x128xi32, #tpu.memory_space<vmem>>
        %dma_wait3A_516 = tpu.memref_squeeze %dma_wait3A_515 : memref<1x128xi32, #tpu.memory_space<vmem>> -> memref<128xi32, #tpu.memory_space<vmem>>
        %dma_wait3A_517 = arith.constant 0 : i32
        %dma_wait3A_518 = tpu.memref_slice %arg10[%dma_wait3A_517] : memref<614656xf32, #tpu.memory_space<vmem_shared>> -> memref<614656xf32, #tpu.memory_space<vmem_shared>>
        tpu.wait_indirect_dma semaphore(%arg18 : memref<!tpu.dma_semaphore, #tpu.memory_space<semaphore_mem>>) src(%arg8 : memref<128xf32, #tpu.memory_space<vmem>>) dst(%dma_wait3A_518 : memref<614656xf32, #tpu.memory_space<vmem_shared>>)
        %dma_wait3A_519 = arith.constant 1 : i32
        %dma_wait3A_520 = arith.constant 0 : i32
        %dma_wait3A_521 = tpu.memref_slice %arg7[%dma_wait3A_519, %dma_wait3A_520] : memref<8x128xi32, #tpu.memory_space<vmem>> -> memref<1x128xi32, #tpu.memory_space<vmem>>
        %dma_wait3A_522 = tpu.memref_squeeze %dma_wait3A_521 : memref<1x128xi32, #tpu.memory_space<vmem>> -> memref<128xi32, #tpu.memory_space<vmem>>
        %dma_wait3A_523 = arith.constant 0 : i32
        %dma_wait3A_524 = tpu.memref_slice %arg10[%dma_wait3A_523] : memref<614656xf32, #tpu.memory_space<vmem_shared>> -> memref<614656xf32, #tpu.memory_space<vmem_shared>>
        tpu.wait_indirect_dma semaphore(%arg18 : memref<!tpu.dma_semaphore, #tpu.memory_space<semaphore_mem>>) src(%arg8 : memref<128xf32, #tpu.memory_space<vmem>>) dst(%dma_wait3A_524 : memref<614656xf32, #tpu.memory_space<vmem_shared>>)
        %dma_wait3A_525 = arith.constant 2 : i32
        %dma_wait3A_526 = arith.constant 0 : i32
        %dma_wait3A_527 = tpu.memref_slice %arg7[%dma_wait3A_525, %dma_wait3A_526] : memref<8x128xi32, #tpu.memory_space<vmem>> -> memref<1x128xi32, #tpu.memory_space<vmem>>
        %dma_wait3A_528 = tpu.memref_squeeze %dma_wait3A_527 : memref<1x128xi32, #tpu.memory_space<vmem>> -> memref<128xi32, #tpu.memory_space<vmem>>
        %dma_wait3A_529 = arith.constant 0 : i32
        %dma_wait3A_530 = tpu.memref_slice %arg10[%dma_wait3A_529] : memref<614656xf32, #tpu.memory_space<vmem_shared>> -> memref<614656xf32, #tpu.memory_space<vmem_shared>>
        tpu.wait_indirect_dma semaphore(%arg18 : memref<!tpu.dma_semaphore, #tpu.memory_space<semaphore_mem>>) src(%arg8 : memref<128xf32, #tpu.memory_space<vmem>>) dst(%dma_wait3A_530 : memref<614656xf32, #tpu.memory_space<vmem_shared>>)
        %dma_wait3A_531 = arith.constant 3 : i32
        %dma_wait3A_532 = arith.constant 0 : i32
        %dma_wait3A_533 = tpu.memref_slice %arg7[%dma_wait3A_531, %dma_wait3A_532] : memref<8x128xi32, #tpu.memory_space<vmem>> -> memref<1x128xi32, #tpu.memory_space<vmem>>
        %dma_wait3A_534 = tpu.memref_squeeze %dma_wait3A_533 : memref<1x128xi32, #tpu.memory_space<vmem>> -> memref<128xi32, #tpu.memory_space<vmem>>
        %dma_wait3A_535 = arith.constant 0 : i32
        %dma_wait3A_536 = tpu.memref_slice %arg10[%dma_wait3A_535] : memref<614656xf32, #tpu.memory_space<vmem_shared>> -> memref<614656xf32, #tpu.memory_space<vmem_shared>>
        tpu.wait_indirect_dma semaphore(%arg18 : memref<!tpu.dma_semaphore, #tpu.memory_space<semaphore_mem>>) src(%arg8 : memref<128xf32, #tpu.memory_space<vmem>>) dst(%dma_wait3A_536 : memref<614656xf32, #tpu.memory_space<vmem_shared>>)
        %dma_wait3A_537 = arith.constant 4 : i32
        %dma_wait3A_538 = arith.constant 0 : i32
        %dma_wait3A_539 = tpu.memref_slice %arg7[%dma_wait3A_537, %dma_wait3A_538] : memref<8x128xi32, #tpu.memory_space<vmem>> -> memref<1x128xi32, #tpu.memory_space<vmem>>
        %dma_wait3A_540 = tpu.memref_squeeze %dma_wait3A_539 : memref<1x128xi32, #tpu.memory_space<vmem>> -> memref<128xi32, #tpu.memory_space<vmem>>
        %dma_wait3A_541 = arith.constant 0 : i32
        %dma_wait3A_542 = tpu.memref_slice %arg10[%dma_wait3A_541] : memref<614656xf32, #tpu.memory_space<vmem_shared>> -> memref<614656xf32, #tpu.memory_space<vmem_shared>>
        tpu.wait_indirect_dma semaphore(%arg18 : memref<!tpu.dma_semaphore, #tpu.memory_space<semaphore_mem>>) src(%arg8 : memref<128xf32, #tpu.memory_space<vmem>>) dst(%dma_wait3A_542 : memref<614656xf32, #tpu.memory_space<vmem_shared>>)
        %dma_wait3A_543 = arith.constant 5 : i32
        %dma_wait3A_544 = arith.constant 0 : i32
        %dma_wait3A_545 = tpu.memref_slice %arg7[%dma_wait3A_543, %dma_wait3A_544] : memref<8x128xi32, #tpu.memory_space<vmem>> -> memref<1x128xi32, #tpu.memory_space<vmem>>
        %dma_wait3A_546 = tpu.memref_squeeze %dma_wait3A_545 : memref<1x128xi32, #tpu.memory_space<vmem>> -> memref<128xi32, #tpu.memory_space<vmem>>
        %dma_wait3A_547 = arith.constant 0 : i32
        %dma_wait3A_548 = tpu.memref_slice %arg10[%dma_wait3A_547] : memref<614656xf32, #tpu.memory_space<vmem_shared>> -> memref<614656xf32, #tpu.memory_space<vmem_shared>>
        tpu.wait_indirect_dma semaphore(%arg18 : memref<!tpu.dma_semaphore, #tpu.memory_space<semaphore_mem>>) src(%arg8 : memref<128xf32, #tpu.memory_space<vmem>>) dst(%dma_wait3A_548 : memref<614656xf32, #tpu.memory_space<vmem_shared>>)
        %dma_wait3A_549 = arith.constant 6 : i32
        %dma_wait3A_550 = arith.constant 0 : i32
        %dma_wait3A_551 = tpu.memref_slice %arg7[%dma_wait3A_549, %dma_wait3A_550] : memref<8x128xi32, #tpu.memory_space<vmem>> -> memref<1x128xi32, #tpu.memory_space<vmem>>
        %dma_wait3A_552 = tpu.memref_squeeze %dma_wait3A_551 : memref<1x128xi32, #tpu.memory_space<vmem>> -> memref<128xi32, #tpu.memory_space<vmem>>
        %dma_wait3A_553 = arith.constant 0 : i32
        %dma_wait3A_554 = tpu.memref_slice %arg10[%dma_wait3A_553] : memref<614656xf32, #tpu.memory_space<vmem_shared>> -> memref<614656xf32, #tpu.memory_space<vmem_shared>>
        tpu.wait_indirect_dma semaphore(%arg18 : memref<!tpu.dma_semaphore, #tpu.memory_space<semaphore_mem>>) src(%arg8 : memref<128xf32, #tpu.memory_space<vmem>>) dst(%dma_wait3A_554 : memref<614656xf32, #tpu.memory_space<vmem_shared>>)
        %dma_wait3A_555 = arith.constant 7 : i32
        %dma_wait3A_556 = arith.constant 0 : i32
        %dma_wait3A_557 = tpu.memref_slice %arg7[%dma_wait3A_555, %dma_wait3A_556] : memref<8x128xi32, #tpu.memory_space<vmem>> -> memref<1x128xi32, #tpu.memory_space<vmem>>
        %dma_wait3A_558 = tpu.memref_squeeze %dma_wait3A_557 : memref<1x128xi32, #tpu.memory_space<vmem>> -> memref<128xi32, #tpu.memory_space<vmem>>
        %dma_wait3A_559 = arith.constant 0 : i32
        %dma_wait3A_560 = tpu.memref_slice %arg10[%dma_wait3A_559] : memref<614656xf32, #tpu.memory_space<vmem_shared>> -> memref<614656xf32, #tpu.memory_space<vmem_shared>>
        tpu.wait_indirect_dma semaphore(%arg18 : memref<!tpu.dma_semaphore, #tpu.memory_space<semaphore_mem>>) src(%arg8 : memref<128xf32, #tpu.memory_space<vmem>>) dst(%dma_wait3A_560 : memref<614656xf32, #tpu.memory_space<vmem_shared>>)
      } else {
      }
      %lt3A_380 = arith.constant 31 : i32
      %lt3A_381 = arith.cmpi slt, %add3A_374, %lt3A_380 : i32
      %convert_element_type3A_382 = arith.extui %lt3A_381 : i1 to i32
      %cond3A_383 = arith.constant 0 : i32
      %cond3A_384 = arith.cmpi ne, %convert_element_type3A_382, %cond3A_383 : i32
      scf.if %cond3A_384 {
        %add3A_513 = arith.constant 1 : i32
        %add3A_514 = arith.addi %add3A_374, %add3A_513 : i32
        %mul3A_515 = arith.constant 32 : i32
        %mul3A_516 = arith.muli %add3A_514, %mul3A_515 : i32
        %add3A_517 = arith.addi %add3A, %mul3A_516 : i32
        %mul3A_518 = arith.constant 8 : i32
        %mul3A_519 = arith.muli %add3A_517, %mul3A_518 : i32
        %dma_start3A_520 = arith.constant 0 : i32
        %dma_start3A_521 = tpu.memref_slice %arg2[%mul3A_519, %dma_start3A_520] : memref<8192x128xi32, #tpu.memory_space<hbm>> -> memref<8x128xi32, #tpu.memory_space<hbm>>
        %dma_start3A_522 = arith.constant 0 : i32
        %dma_start3A_523 = tpu.memref_slice %arg2[%mul3A_519, %dma_start3A_522] : memref<8192x128xi32, #tpu.memory_space<hbm>> -> memref<8x128xi32, #tpu.memory_space<hbm>>
        tpu.enqueue_dma source(%dma_start3A_523 : memref<8x128xi32, #tpu.memory_space<hbm>>) target(%arg7 : memref<8x128xi32, #tpu.memory_space<vmem>>) target_semaphore(%arg14 : memref<!tpu.dma_semaphore, #tpu.memory_space<semaphore_mem>>)
      } else {
      }
      %mul3A_385 = arith.constant 32 : i32
      %mul3A_386 = arith.muli %add3A_374, %mul3A_385 : i32
      %add3A_387 = arith.addi %add3A, %mul3A_386 : i32
      %mul3A_388 = arith.constant 8 : i32
      %mul3A_389 = arith.muli %add3A_387, %mul3A_388 : i32
      %dma_wait3A_390 = arith.constant 0 : i32
      %dma_wait3A_391 = tpu.memref_slice %arg2[%mul3A_389, %dma_wait3A_390] : memref<8192x128xi32, #tpu.memory_space<hbm>> -> memref<8x128xi32, #tpu.memory_space<hbm>>
      %dma_wait3A_392 = arith.constant 0 : i32
      %dma_wait3A_393 = tpu.memref_slice %arg2[%mul3A_389, %dma_wait3A_392] : memref<8192x128xi32, #tpu.memory_space<hbm>> -> memref<8x128xi32, #tpu.memory_space<hbm>>
      tpu.wait_dma2 semaphore(%arg13 : memref<!tpu.dma_semaphore, #tpu.memory_space<semaphore_mem>>) src(%dma_wait3A_393 : memref<8x128xi32, #tpu.memory_space<hbm>>) dst(%arg6 : memref<8x128xi32, #tpu.memory_space<vmem>>)
      %dma_start3A_394 = arith.constant 0 : i32
      %dma_start3A_395 = arith.constant 0 : i32
      %dma_start3A_396 = tpu.memref_slice %arg6[%dma_start3A_394, %dma_start3A_395] : memref<8x128xi32, #tpu.memory_space<vmem>> -> memref<1x128xi32, #tpu.memory_space<vmem>>
      %dma_start3A_397 = tpu.memref_squeeze %dma_start3A_396 : memref<1x128xi32, #tpu.memory_space<vmem>> -> memref<128xi32, #tpu.memory_space<vmem>>
      %dma_start3A_398 = arith.constant 0 : i32
      %dma_start3A_399 = tpu.memref_slice %arg10[%dma_start3A_398] : memref<614656xf32, #tpu.memory_space<vmem_shared>> -> memref<614656xf32, #tpu.memory_space<vmem_shared>>
      tpu.enqueue_indirect_dma source(%arg8 : memref<128xf32, #tpu.memory_space<vmem>>) target(%dma_start3A_399 : memref<614656xf32, #tpu.memory_space<vmem_shared>>) offsets(%dma_start3A_397 : memref<128xi32, #tpu.memory_space<vmem>>) semaphore(%arg17 : memref<!tpu.dma_semaphore, #tpu.memory_space<semaphore_mem>>)
      %dma_start3A_400 = arith.constant 1 : i32
      %dma_start3A_401 = arith.constant 0 : i32
      %dma_start3A_402 = tpu.memref_slice %arg6[%dma_start3A_400, %dma_start3A_401] : memref<8x128xi32, #tpu.memory_space<vmem>> -> memref<1x128xi32, #tpu.memory_space<vmem>>
      %dma_start3A_403 = tpu.memref_squeeze %dma_start3A_402 : memref<1x128xi32, #tpu.memory_space<vmem>> -> memref<128xi32, #tpu.memory_space<vmem>>
      %dma_start3A_404 = arith.constant 0 : i32
      %dma_start3A_405 = tpu.memref_slice %arg10[%dma_start3A_404] : memref<614656xf32, #tpu.memory_space<vmem_shared>> -> memref<614656xf32, #tpu.memory_space<vmem_shared>>
      tpu.enqueue_indirect_dma source(%arg8 : memref<128xf32, #tpu.memory_space<vmem>>) target(%dma_start3A_405 : memref<614656xf32, #tpu.memory_space<vmem_shared>>) offsets(%dma_start3A_403 : memref<128xi32, #tpu.memory_space<vmem>>) semaphore(%arg17 : memref<!tpu.dma_semaphore, #tpu.memory_space<semaphore_mem>>)
      %dma_start3A_406 = arith.constant 2 : i32
      %dma_start3A_407 = arith.constant 0 : i32
      %dma_start3A_408 = tpu.memref_slice %arg6[%dma_start3A_406, %dma_start3A_407] : memref<8x128xi32, #tpu.memory_space<vmem>> -> memref<1x128xi32, #tpu.memory_space<vmem>>
      %dma_start3A_409 = tpu.memref_squeeze %dma_start3A_408 : memref<1x128xi32, #tpu.memory_space<vmem>> -> memref<128xi32, #tpu.memory_space<vmem>>
      %dma_start3A_410 = arith.constant 0 : i32
      %dma_start3A_411 = tpu.memref_slice %arg10[%dma_start3A_410] : memref<614656xf32, #tpu.memory_space<vmem_shared>> -> memref<614656xf32, #tpu.memory_space<vmem_shared>>
      tpu.enqueue_indirect_dma source(%arg8 : memref<128xf32, #tpu.memory_space<vmem>>) target(%dma_start3A_411 : memref<614656xf32, #tpu.memory_space<vmem_shared>>) offsets(%dma_start3A_409 : memref<128xi32, #tpu.memory_space<vmem>>) semaphore(%arg17 : memref<!tpu.dma_semaphore, #tpu.memory_space<semaphore_mem>>)
      %dma_start3A_412 = arith.constant 3 : i32
      %dma_start3A_413 = arith.constant 0 : i32
      %dma_start3A_414 = tpu.memref_slice %arg6[%dma_start3A_412, %dma_start3A_413] : memref<8x128xi32, #tpu.memory_space<vmem>> -> memref<1x128xi32, #tpu.memory_space<vmem>>
      %dma_start3A_415 = tpu.memref_squeeze %dma_start3A_414 : memref<1x128xi32, #tpu.memory_space<vmem>> -> memref<128xi32, #tpu.memory_space<vmem>>
      %dma_start3A_416 = arith.constant 0 : i32
      %dma_start3A_417 = tpu.memref_slice %arg10[%dma_start3A_416] : memref<614656xf32, #tpu.memory_space<vmem_shared>> -> memref<614656xf32, #tpu.memory_space<vmem_shared>>
      tpu.enqueue_indirect_dma source(%arg8 : memref<128xf32, #tpu.memory_space<vmem>>) target(%dma_start3A_417 : memref<614656xf32, #tpu.memory_space<vmem_shared>>) offsets(%dma_start3A_415 : memref<128xi32, #tpu.memory_space<vmem>>) semaphore(%arg17 : memref<!tpu.dma_semaphore, #tpu.memory_space<semaphore_mem>>)
      %dma_start3A_418 = arith.constant 4 : i32
      %dma_start3A_419 = arith.constant 0 : i32
      %dma_start3A_420 = tpu.memref_slice %arg6[%dma_start3A_418, %dma_start3A_419] : memref<8x128xi32, #tpu.memory_space<vmem>> -> memref<1x128xi32, #tpu.memory_space<vmem>>
      %dma_start3A_421 = tpu.memref_squeeze %dma_start3A_420 : memref<1x128xi32, #tpu.memory_space<vmem>> -> memref<128xi32, #tpu.memory_space<vmem>>
      %dma_start3A_422 = arith.constant 0 : i32
      %dma_start3A_423 = tpu.memref_slice %arg10[%dma_start3A_422] : memref<614656xf32, #tpu.memory_space<vmem_shared>> -> memref<614656xf32, #tpu.memory_space<vmem_shared>>
      tpu.enqueue_indirect_dma source(%arg8 : memref<128xf32, #tpu.memory_space<vmem>>) target(%dma_start3A_423 : memref<614656xf32, #tpu.memory_space<vmem_shared>>) offsets(%dma_start3A_421 : memref<128xi32, #tpu.memory_space<vmem>>) semaphore(%arg17 : memref<!tpu.dma_semaphore, #tpu.memory_space<semaphore_mem>>)
      %dma_start3A_424 = arith.constant 5 : i32
      %dma_start3A_425 = arith.constant 0 : i32
      %dma_start3A_426 = tpu.memref_slice %arg6[%dma_start3A_424, %dma_start3A_425] : memref<8x128xi32, #tpu.memory_space<vmem>> -> memref<1x128xi32, #tpu.memory_space<vmem>>
      %dma_start3A_427 = tpu.memref_squeeze %dma_start3A_426 : memref<1x128xi32, #tpu.memory_space<vmem>> -> memref<128xi32, #tpu.memory_space<vmem>>
      %dma_start3A_428 = arith.constant 0 : i32
      %dma_start3A_429 = tpu.memref_slice %arg10[%dma_start3A_428] : memref<614656xf32, #tpu.memory_space<vmem_shared>> -> memref<614656xf32, #tpu.memory_space<vmem_shared>>
      tpu.enqueue_indirect_dma source(%arg8 : memref<128xf32, #tpu.memory_space<vmem>>) target(%dma_start3A_429 : memref<614656xf32, #tpu.memory_space<vmem_shared>>) offsets(%dma_start3A_427 : memref<128xi32, #tpu.memory_space<vmem>>) semaphore(%arg17 : memref<!tpu.dma_semaphore, #tpu.memory_space<semaphore_mem>>)
      %dma_start3A_430 = arith.constant 6 : i32
      %dma_start3A_431 = arith.constant 0 : i32
      %dma_start3A_432 = tpu.memref_slice %arg6[%dma_start3A_430, %dma_start3A_431] : memref<8x128xi32, #tpu.memory_space<vmem>> -> memref<1x128xi32, #tpu.memory_space<vmem>>
      %dma_start3A_433 = tpu.memref_squeeze %dma_start3A_432 : memref<1x128xi32, #tpu.memory_space<vmem>> -> memref<128xi32, #tpu.memory_space<vmem>>
      %dma_start3A_434 = arith.constant 0 : i32
      %dma_start3A_435 = tpu.memref_slice %arg10[%dma_start3A_434] : memref<614656xf32, #tpu.memory_space<vmem_shared>> -> memref<614656xf32, #tpu.memory_space<vmem_shared>>
      tpu.enqueue_indirect_dma source(%arg8 : memref<128xf32, #tpu.memory_space<vmem>>) target(%dma_start3A_435 : memref<614656xf32, #tpu.memory_space<vmem_shared>>) offsets(%dma_start3A_433 : memref<128xi32, #tpu.memory_space<vmem>>) semaphore(%arg17 : memref<!tpu.dma_semaphore, #tpu.memory_space<semaphore_mem>>)
      %dma_start3A_436 = arith.constant 7 : i32
      %dma_start3A_437 = arith.constant 0 : i32
      %dma_start3A_438 = tpu.memref_slice %arg6[%dma_start3A_436, %dma_start3A_437] : memref<8x128xi32, #tpu.memory_space<vmem>> -> memref<1x128xi32, #tpu.memory_space<vmem>>
      %dma_start3A_439 = tpu.memref_squeeze %dma_start3A_438 : memref<1x128xi32, #tpu.memory_space<vmem>> -> memref<128xi32, #tpu.memory_space<vmem>>
      %dma_start3A_440 = arith.constant 0 : i32
      %dma_start3A_441 = tpu.memref_slice %arg10[%dma_start3A_440] : memref<614656xf32, #tpu.memory_space<vmem_shared>> -> memref<614656xf32, #tpu.memory_space<vmem_shared>>
      tpu.enqueue_indirect_dma source(%arg8 : memref<128xf32, #tpu.memory_space<vmem>>) target(%dma_start3A_441 : memref<614656xf32, #tpu.memory_space<vmem_shared>>) offsets(%dma_start3A_439 : memref<128xi32, #tpu.memory_space<vmem>>) semaphore(%arg17 : memref<!tpu.dma_semaphore, #tpu.memory_space<semaphore_mem>>)
      %mul3A_442 = arith.constant 4 : i32
      %mul3A_443 = arith.muli %scan3A_232, %mul3A_442 : i32
      %add3A_444 = arith.constant 3 : i32
      %add3A_445 = arith.addi %mul3A_443, %add3A_444 : i32
      %ge3A_446 = arith.constant 3 : i32
      %ge3A_447 = arith.cmpi sge, %add3A_445, %ge3A_446 : i32
      %convert_element_type3A_448 = arith.extui %ge3A_447 : i1 to i32
      %cond3A_449 = arith.constant 0 : i32
      %cond3A_450 = arith.cmpi ne, %convert_element_type3A_448, %cond3A_449 : i32
      scf.if %cond3A_450 {
        %dma_wait3A_513 = arith.constant 0 : i32
        %dma_wait3A_514 = arith.constant 0 : i32
        %dma_wait3A_515 = tpu.memref_slice %arg4[%dma_wait3A_513, %dma_wait3A_514] : memref<8x128xi32, #tpu.memory_space<vmem>> -> memref<1x128xi32, #tpu.memory_space<vmem>>
        %dma_wait3A_516 = tpu.memref_squeeze %dma_wait3A_515 : memref<1x128xi32, #tpu.memory_space<vmem>> -> memref<128xi32, #tpu.memory_space<vmem>>
        %dma_wait3A_517 = arith.constant 0 : i32
        %dma_wait3A_518 = tpu.memref_slice %arg10[%dma_wait3A_517] : memref<614656xf32, #tpu.memory_space<vmem_shared>> -> memref<614656xf32, #tpu.memory_space<vmem_shared>>
        tpu.wait_indirect_dma semaphore(%arg15 : memref<!tpu.dma_semaphore, #tpu.memory_space<semaphore_mem>>) src(%arg8 : memref<128xf32, #tpu.memory_space<vmem>>) dst(%dma_wait3A_518 : memref<614656xf32, #tpu.memory_space<vmem_shared>>)
        %dma_wait3A_519 = arith.constant 1 : i32
        %dma_wait3A_520 = arith.constant 0 : i32
        %dma_wait3A_521 = tpu.memref_slice %arg4[%dma_wait3A_519, %dma_wait3A_520] : memref<8x128xi32, #tpu.memory_space<vmem>> -> memref<1x128xi32, #tpu.memory_space<vmem>>
        %dma_wait3A_522 = tpu.memref_squeeze %dma_wait3A_521 : memref<1x128xi32, #tpu.memory_space<vmem>> -> memref<128xi32, #tpu.memory_space<vmem>>
        %dma_wait3A_523 = arith.constant 0 : i32
        %dma_wait3A_524 = tpu.memref_slice %arg10[%dma_wait3A_523] : memref<614656xf32, #tpu.memory_space<vmem_shared>> -> memref<614656xf32, #tpu.memory_space<vmem_shared>>
        tpu.wait_indirect_dma semaphore(%arg15 : memref<!tpu.dma_semaphore, #tpu.memory_space<semaphore_mem>>) src(%arg8 : memref<128xf32, #tpu.memory_space<vmem>>) dst(%dma_wait3A_524 : memref<614656xf32, #tpu.memory_space<vmem_shared>>)
        %dma_wait3A_525 = arith.constant 2 : i32
        %dma_wait3A_526 = arith.constant 0 : i32
        %dma_wait3A_527 = tpu.memref_slice %arg4[%dma_wait3A_525, %dma_wait3A_526] : memref<8x128xi32, #tpu.memory_space<vmem>> -> memref<1x128xi32, #tpu.memory_space<vmem>>
        %dma_wait3A_528 = tpu.memref_squeeze %dma_wait3A_527 : memref<1x128xi32, #tpu.memory_space<vmem>> -> memref<128xi32, #tpu.memory_space<vmem>>
        %dma_wait3A_529 = arith.constant 0 : i32
        %dma_wait3A_530 = tpu.memref_slice %arg10[%dma_wait3A_529] : memref<614656xf32, #tpu.memory_space<vmem_shared>> -> memref<614656xf32, #tpu.memory_space<vmem_shared>>
        tpu.wait_indirect_dma semaphore(%arg15 : memref<!tpu.dma_semaphore, #tpu.memory_space<semaphore_mem>>) src(%arg8 : memref<128xf32, #tpu.memory_space<vmem>>) dst(%dma_wait3A_530 : memref<614656xf32, #tpu.memory_space<vmem_shared>>)
        %dma_wait3A_531 = arith.constant 3 : i32
        %dma_wait3A_532 = arith.constant 0 : i32
        %dma_wait3A_533 = tpu.memref_slice %arg4[%dma_wait3A_531, %dma_wait3A_532] : memref<8x128xi32, #tpu.memory_space<vmem>> -> memref<1x128xi32, #tpu.memory_space<vmem>>
        %dma_wait3A_534 = tpu.memref_squeeze %dma_wait3A_533 : memref<1x128xi32, #tpu.memory_space<vmem>> -> memref<128xi32, #tpu.memory_space<vmem>>
        %dma_wait3A_535 = arith.constant 0 : i32
        %dma_wait3A_536 = tpu.memref_slice %arg10[%dma_wait3A_535] : memref<614656xf32, #tpu.memory_space<vmem_shared>> -> memref<614656xf32, #tpu.memory_space<vmem_shared>>
        tpu.wait_indirect_dma semaphore(%arg15 : memref<!tpu.dma_semaphore, #tpu.memory_space<semaphore_mem>>) src(%arg8 : memref<128xf32, #tpu.memory_space<vmem>>) dst(%dma_wait3A_536 : memref<614656xf32, #tpu.memory_space<vmem_shared>>)
        %dma_wait3A_537 = arith.constant 4 : i32
        %dma_wait3A_538 = arith.constant 0 : i32
        %dma_wait3A_539 = tpu.memref_slice %arg4[%dma_wait3A_537, %dma_wait3A_538] : memref<8x128xi32, #tpu.memory_space<vmem>> -> memref<1x128xi32, #tpu.memory_space<vmem>>
        %dma_wait3A_540 = tpu.memref_squeeze %dma_wait3A_539 : memref<1x128xi32, #tpu.memory_space<vmem>> -> memref<128xi32, #tpu.memory_space<vmem>>
        %dma_wait3A_541 = arith.constant 0 : i32
        %dma_wait3A_542 = tpu.memref_slice %arg10[%dma_wait3A_541] : memref<614656xf32, #tpu.memory_space<vmem_shared>> -> memref<614656xf32, #tpu.memory_space<vmem_shared>>
        tpu.wait_indirect_dma semaphore(%arg15 : memref<!tpu.dma_semaphore, #tpu.memory_space<semaphore_mem>>) src(%arg8 : memref<128xf32, #tpu.memory_space<vmem>>) dst(%dma_wait3A_542 : memref<614656xf32, #tpu.memory_space<vmem_shared>>)
        %dma_wait3A_543 = arith.constant 5 : i32
        %dma_wait3A_544 = arith.constant 0 : i32
        %dma_wait3A_545 = tpu.memref_slice %arg4[%dma_wait3A_543, %dma_wait3A_544] : memref<8x128xi32, #tpu.memory_space<vmem>> -> memref<1x128xi32, #tpu.memory_space<vmem>>
        %dma_wait3A_546 = tpu.memref_squeeze %dma_wait3A_545 : memref<1x128xi32, #tpu.memory_space<vmem>> -> memref<128xi32, #tpu.memory_space<vmem>>
        %dma_wait3A_547 = arith.constant 0 : i32
        %dma_wait3A_548 = tpu.memref_slice %arg10[%dma_wait3A_547] : memref<614656xf32, #tpu.memory_space<vmem_shared>> -> memref<614656xf32, #tpu.memory_space<vmem_shared>>
        tpu.wait_indirect_dma semaphore(%arg15 : memref<!tpu.dma_semaphore, #tpu.memory_space<semaphore_mem>>) src(%arg8 : memref<128xf32, #tpu.memory_space<vmem>>) dst(%dma_wait3A_548 : memref<614656xf32, #tpu.memory_space<vmem_shared>>)
        %dma_wait3A_549 = arith.constant 6 : i32
        %dma_wait3A_550 = arith.constant 0 : i32
        %dma_wait3A_551 = tpu.memref_slice %arg4[%dma_wait3A_549, %dma_wait3A_550] : memref<8x128xi32, #tpu.memory_space<vmem>> -> memref<1x128xi32, #tpu.memory_space<vmem>>
        %dma_wait3A_552 = tpu.memref_squeeze %dma_wait3A_551 : memref<1x128xi32, #tpu.memory_space<vmem>> -> memref<128xi32, #tpu.memory_space<vmem>>
        %dma_wait3A_553 = arith.constant 0 : i32
        %dma_wait3A_554 = tpu.memref_slice %arg10[%dma_wait3A_553] : memref<614656xf32, #tpu.memory_space<vmem_shared>> -> memref<614656xf32, #tpu.memory_space<vmem_shared>>
        tpu.wait_indirect_dma semaphore(%arg15 : memref<!tpu.dma_semaphore, #tpu.memory_space<semaphore_mem>>) src(%arg8 : memref<128xf32, #tpu.memory_space<vmem>>) dst(%dma_wait3A_554 : memref<614656xf32, #tpu.memory_space<vmem_shared>>)
        %dma_wait3A_555 = arith.constant 7 : i32
        %dma_wait3A_556 = arith.constant 0 : i32
        %dma_wait3A_557 = tpu.memref_slice %arg4[%dma_wait3A_555, %dma_wait3A_556] : memref<8x128xi32, #tpu.memory_space<vmem>> -> memref<1x128xi32, #tpu.memory_space<vmem>>
        %dma_wait3A_558 = tpu.memref_squeeze %dma_wait3A_557 : memref<1x128xi32, #tpu.memory_space<vmem>> -> memref<128xi32, #tpu.memory_space<vmem>>
        %dma_wait3A_559 = arith.constant 0 : i32
        %dma_wait3A_560 = tpu.memref_slice %arg10[%dma_wait3A_559] : memref<614656xf32, #tpu.memory_space<vmem_shared>> -> memref<614656xf32, #tpu.memory_space<vmem_shared>>
        tpu.wait_indirect_dma semaphore(%arg15 : memref<!tpu.dma_semaphore, #tpu.memory_space<semaphore_mem>>) src(%arg8 : memref<128xf32, #tpu.memory_space<vmem>>) dst(%dma_wait3A_560 : memref<614656xf32, #tpu.memory_space<vmem_shared>>)
      } else {
      }
      %lt3A_451 = arith.constant 31 : i32
      %lt3A_452 = arith.cmpi slt, %add3A_445, %lt3A_451 : i32
      %convert_element_type3A_453 = arith.extui %lt3A_452 : i1 to i32
      %cond3A_454 = arith.constant 0 : i32
      %cond3A_455 = arith.cmpi ne, %convert_element_type3A_453, %cond3A_454 : i32
      scf.if %cond3A_455 {
        %add3A_513 = arith.constant 1 : i32
        %add3A_514 = arith.addi %add3A_445, %add3A_513 : i32
        %mul3A_515 = arith.constant 32 : i32
        %mul3A_516 = arith.muli %add3A_514, %mul3A_515 : i32
        %add3A_517 = arith.addi %add3A, %mul3A_516 : i32
        %mul3A_518 = arith.constant 8 : i32
        %mul3A_519 = arith.muli %add3A_517, %mul3A_518 : i32
        %dma_start3A_520 = arith.constant 0 : i32
        %dma_start3A_521 = tpu.memref_slice %arg2[%mul3A_519, %dma_start3A_520] : memref<8192x128xi32, #tpu.memory_space<hbm>> -> memref<8x128xi32, #tpu.memory_space<hbm>>
        %dma_start3A_522 = arith.constant 0 : i32
        %dma_start3A_523 = tpu.memref_slice %arg2[%mul3A_519, %dma_start3A_522] : memref<8192x128xi32, #tpu.memory_space<hbm>> -> memref<8x128xi32, #tpu.memory_space<hbm>>
        tpu.enqueue_dma source(%dma_start3A_523 : memref<8x128xi32, #tpu.memory_space<hbm>>) target(%arg4 : memref<8x128xi32, #tpu.memory_space<vmem>>) target_semaphore(%arg11 : memref<!tpu.dma_semaphore, #tpu.memory_space<semaphore_mem>>)
      } else {
      }
      %mul3A_456 = arith.constant 32 : i32
      %mul3A_457 = arith.muli %add3A_445, %mul3A_456 : i32
      %add3A_458 = arith.addi %add3A, %mul3A_457 : i32
      %mul3A_459 = arith.constant 8 : i32
      %mul3A_460 = arith.muli %add3A_458, %mul3A_459 : i32
      %dma_wait3A_461 = arith.constant 0 : i32
      %dma_wait3A_462 = tpu.memref_slice %arg2[%mul3A_460, %dma_wait3A_461] : memref<8192x128xi32, #tpu.memory_space<hbm>> -> memref<8x128xi32, #tpu.memory_space<hbm>>
      %dma_wait3A_463 = arith.constant 0 : i32
      %dma_wait3A_464 = tpu.memref_slice %arg2[%mul3A_460, %dma_wait3A_463] : memref<8192x128xi32, #tpu.memory_space<hbm>> -> memref<8x128xi32, #tpu.memory_space<hbm>>
      tpu.wait_dma2 semaphore(%arg14 : memref<!tpu.dma_semaphore, #tpu.memory_space<semaphore_mem>>) src(%dma_wait3A_464 : memref<8x128xi32, #tpu.memory_space<hbm>>) dst(%arg7 : memref<8x128xi32, #tpu.memory_space<vmem>>)
      %dma_start3A_465 = arith.constant 0 : i32
      %dma_start3A_466 = arith.constant 0 : i32
      %dma_start3A_467 = tpu.memref_slice %arg7[%dma_start3A_465, %dma_start3A_466] : memref<8x128xi32, #tpu.memory_space<vmem>> -> memref<1x128xi32, #tpu.memory_space<vmem>>
      %dma_start3A_468 = tpu.memref_squeeze %dma_start3A_467 : memref<1x128xi32, #tpu.memory_space<vmem>> -> memref<128xi32, #tpu.memory_space<vmem>>
      %dma_start3A_469 = arith.constant 0 : i32
      %dma_start3A_470 = tpu.memref_slice %arg10[%dma_start3A_469] : memref<614656xf32, #tpu.memory_space<vmem_shared>> -> memref<614656xf32, #tpu.memory_space<vmem_shared>>
      tpu.enqueue_indirect_dma source(%arg8 : memref<128xf32, #tpu.memory_space<vmem>>) target(%dma_start3A_470 : memref<614656xf32, #tpu.memory_space<vmem_shared>>) offsets(%dma_start3A_468 : memref<128xi32, #tpu.memory_space<vmem>>) semaphore(%arg18 : memref<!tpu.dma_semaphore, #tpu.memory_space<semaphore_mem>>)
      %dma_start3A_471 = arith.constant 1 : i32
      %dma_start3A_472 = arith.constant 0 : i32
      %dma_start3A_473 = tpu.memref_slice %arg7[%dma_start3A_471, %dma_start3A_472] : memref<8x128xi32, #tpu.memory_space<vmem>> -> memref<1x128xi32, #tpu.memory_space<vmem>>
      %dma_start3A_474 = tpu.memref_squeeze %dma_start3A_473 : memref<1x128xi32, #tpu.memory_space<vmem>> -> memref<128xi32, #tpu.memory_space<vmem>>
      %dma_start3A_475 = arith.constant 0 : i32
      %dma_start3A_476 = tpu.memref_slice %arg10[%dma_start3A_475] : memref<614656xf32, #tpu.memory_space<vmem_shared>> -> memref<614656xf32, #tpu.memory_space<vmem_shared>>
      tpu.enqueue_indirect_dma source(%arg8 : memref<128xf32, #tpu.memory_space<vmem>>) target(%dma_start3A_476 : memref<614656xf32, #tpu.memory_space<vmem_shared>>) offsets(%dma_start3A_474 : memref<128xi32, #tpu.memory_space<vmem>>) semaphore(%arg18 : memref<!tpu.dma_semaphore, #tpu.memory_space<semaphore_mem>>)
      %dma_start3A_477 = arith.constant 2 : i32
      %dma_start3A_478 = arith.constant 0 : i32
      %dma_start3A_479 = tpu.memref_slice %arg7[%dma_start3A_477, %dma_start3A_478] : memref<8x128xi32, #tpu.memory_space<vmem>> -> memref<1x128xi32, #tpu.memory_space<vmem>>
      %dma_start3A_480 = tpu.memref_squeeze %dma_start3A_479 : memref<1x128xi32, #tpu.memory_space<vmem>> -> memref<128xi32, #tpu.memory_space<vmem>>
      %dma_start3A_481 = arith.constant 0 : i32
      %dma_start3A_482 = tpu.memref_slice %arg10[%dma_start3A_481] : memref<614656xf32, #tpu.memory_space<vmem_shared>> -> memref<614656xf32, #tpu.memory_space<vmem_shared>>
      tpu.enqueue_indirect_dma source(%arg8 : memref<128xf32, #tpu.memory_space<vmem>>) target(%dma_start3A_482 : memref<614656xf32, #tpu.memory_space<vmem_shared>>) offsets(%dma_start3A_480 : memref<128xi32, #tpu.memory_space<vmem>>) semaphore(%arg18 : memref<!tpu.dma_semaphore, #tpu.memory_space<semaphore_mem>>)
      %dma_start3A_483 = arith.constant 3 : i32
      %dma_start3A_484 = arith.constant 0 : i32
      %dma_start3A_485 = tpu.memref_slice %arg7[%dma_start3A_483, %dma_start3A_484] : memref<8x128xi32, #tpu.memory_space<vmem>> -> memref<1x128xi32, #tpu.memory_space<vmem>>
      %dma_start3A_486 = tpu.memref_squeeze %dma_start3A_485 : memref<1x128xi32, #tpu.memory_space<vmem>> -> memref<128xi32, #tpu.memory_space<vmem>>
      %dma_start3A_487 = arith.constant 0 : i32
      %dma_start3A_488 = tpu.memref_slice %arg10[%dma_start3A_487] : memref<614656xf32, #tpu.memory_space<vmem_shared>> -> memref<614656xf32, #tpu.memory_space<vmem_shared>>
      tpu.enqueue_indirect_dma source(%arg8 : memref<128xf32, #tpu.memory_space<vmem>>) target(%dma_start3A_488 : memref<614656xf32, #tpu.memory_space<vmem_shared>>) offsets(%dma_start3A_486 : memref<128xi32, #tpu.memory_space<vmem>>) semaphore(%arg18 : memref<!tpu.dma_semaphore, #tpu.memory_space<semaphore_mem>>)
      %dma_start3A_489 = arith.constant 4 : i32
      %dma_start3A_490 = arith.constant 0 : i32
      %dma_start3A_491 = tpu.memref_slice %arg7[%dma_start3A_489, %dma_start3A_490] : memref<8x128xi32, #tpu.memory_space<vmem>> -> memref<1x128xi32, #tpu.memory_space<vmem>>
      %dma_start3A_492 = tpu.memref_squeeze %dma_start3A_491 : memref<1x128xi32, #tpu.memory_space<vmem>> -> memref<128xi32, #tpu.memory_space<vmem>>
      %dma_start3A_493 = arith.constant 0 : i32
      %dma_start3A_494 = tpu.memref_slice %arg10[%dma_start3A_493] : memref<614656xf32, #tpu.memory_space<vmem_shared>> -> memref<614656xf32, #tpu.memory_space<vmem_shared>>
      tpu.enqueue_indirect_dma source(%arg8 : memref<128xf32, #tpu.memory_space<vmem>>) target(%dma_start3A_494 : memref<614656xf32, #tpu.memory_space<vmem_shared>>) offsets(%dma_start3A_492 : memref<128xi32, #tpu.memory_space<vmem>>) semaphore(%arg18 : memref<!tpu.dma_semaphore, #tpu.memory_space<semaphore_mem>>)
      %dma_start3A_495 = arith.constant 5 : i32
      %dma_start3A_496 = arith.constant 0 : i32
      %dma_start3A_497 = tpu.memref_slice %arg7[%dma_start3A_495, %dma_start3A_496] : memref<8x128xi32, #tpu.memory_space<vmem>> -> memref<1x128xi32, #tpu.memory_space<vmem>>
      %dma_start3A_498 = tpu.memref_squeeze %dma_start3A_497 : memref<1x128xi32, #tpu.memory_space<vmem>> -> memref<128xi32, #tpu.memory_space<vmem>>
      %dma_start3A_499 = arith.constant 0 : i32
      %dma_start3A_500 = tpu.memref_slice %arg10[%dma_start3A_499] : memref<614656xf32, #tpu.memory_space<vmem_shared>> -> memref<614656xf32, #tpu.memory_space<vmem_shared>>
      tpu.enqueue_indirect_dma source(%arg8 : memref<128xf32, #tpu.memory_space<vmem>>) target(%dma_start3A_500 : memref<614656xf32, #tpu.memory_space<vmem_shared>>) offsets(%dma_start3A_498 : memref<128xi32, #tpu.memory_space<vmem>>) semaphore(%arg18 : memref<!tpu.dma_semaphore, #tpu.memory_space<semaphore_mem>>)
      %dma_start3A_501 = arith.constant 6 : i32
      %dma_start3A_502 = arith.constant 0 : i32
      %dma_start3A_503 = tpu.memref_slice %arg7[%dma_start3A_501, %dma_start3A_502] : memref<8x128xi32, #tpu.memory_space<vmem>> -> memref<1x128xi32, #tpu.memory_space<vmem>>
      %dma_start3A_504 = tpu.memref_squeeze %dma_start3A_503 : memref<1x128xi32, #tpu.memory_space<vmem>> -> memref<128xi32, #tpu.memory_space<vmem>>
      %dma_start3A_505 = arith.constant 0 : i32
      %dma_start3A_506 = tpu.memref_slice %arg10[%dma_start3A_505] : memref<614656xf32, #tpu.memory_space<vmem_shared>> -> memref<614656xf32, #tpu.memory_space<vmem_shared>>
      tpu.enqueue_indirect_dma source(%arg8 : memref<128xf32, #tpu.memory_space<vmem>>) target(%dma_start3A_506 : memref<614656xf32, #tpu.memory_space<vmem_shared>>) offsets(%dma_start3A_504 : memref<128xi32, #tpu.memory_space<vmem>>) semaphore(%arg18 : memref<!tpu.dma_semaphore, #tpu.memory_space<semaphore_mem>>)
      %dma_start3A_507 = arith.constant 7 : i32
      %dma_start3A_508 = arith.constant 0 : i32
      %dma_start3A_509 = tpu.memref_slice %arg7[%dma_start3A_507, %dma_start3A_508] : memref<8x128xi32, #tpu.memory_space<vmem>> -> memref<1x128xi32, #tpu.memory_space<vmem>>
      %dma_start3A_510 = tpu.memref_squeeze %dma_start3A_509 : memref<1x128xi32, #tpu.memory_space<vmem>> -> memref<128xi32, #tpu.memory_space<vmem>>
      %dma_start3A_511 = arith.constant 0 : i32
      %dma_start3A_512 = tpu.memref_slice %arg10[%dma_start3A_511] : memref<614656xf32, #tpu.memory_space<vmem_shared>> -> memref<614656xf32, #tpu.memory_space<vmem_shared>>
      tpu.enqueue_indirect_dma source(%arg8 : memref<128xf32, #tpu.memory_space<vmem>>) target(%dma_start3A_512 : memref<614656xf32, #tpu.memory_space<vmem_shared>>) offsets(%dma_start3A_510 : memref<128xi32, #tpu.memory_space<vmem>>) semaphore(%arg18 : memref<!tpu.dma_semaphore, #tpu.memory_space<semaphore_mem>>)
    }
    %scan3A_80 = arith.constant 8 : i32
    %dma_wait3A = arith.constant 0 : i32
    %dma_wait3A_81 = arith.constant 0 : i32
    %dma_wait3A_82 = tpu.memref_slice %arg5[%dma_wait3A, %dma_wait3A_81] : memref<8x128xi32, #tpu.memory_space<vmem>> -> memref<1x128xi32, #tpu.memory_space<vmem>>
    %dma_wait3A_83 = tpu.memref_squeeze %dma_wait3A_82 : memref<1x128xi32, #tpu.memory_space<vmem>> -> memref<128xi32, #tpu.memory_space<vmem>>
    %dma_wait3A_84 = arith.constant 0 : i32
    %dma_wait3A_85 = tpu.memref_slice %arg10[%dma_wait3A_84] : memref<614656xf32, #tpu.memory_space<vmem_shared>> -> memref<614656xf32, #tpu.memory_space<vmem_shared>>
    tpu.wait_indirect_dma semaphore(%arg16 : memref<!tpu.dma_semaphore, #tpu.memory_space<semaphore_mem>>) src(%arg8 : memref<128xf32, #tpu.memory_space<vmem>>) dst(%dma_wait3A_85 : memref<614656xf32, #tpu.memory_space<vmem_shared>>)
    %dma_wait3A_86 = arith.constant 1 : i32
    %dma_wait3A_87 = arith.constant 0 : i32
    %dma_wait3A_88 = tpu.memref_slice %arg5[%dma_wait3A_86, %dma_wait3A_87] : memref<8x128xi32, #tpu.memory_space<vmem>> -> memref<1x128xi32, #tpu.memory_space<vmem>>
    %dma_wait3A_89 = tpu.memref_squeeze %dma_wait3A_88 : memref<1x128xi32, #tpu.memory_space<vmem>> -> memref<128xi32, #tpu.memory_space<vmem>>
    %dma_wait3A_90 = arith.constant 0 : i32
    %dma_wait3A_91 = tpu.memref_slice %arg10[%dma_wait3A_90] : memref<614656xf32, #tpu.memory_space<vmem_shared>> -> memref<614656xf32, #tpu.memory_space<vmem_shared>>
    tpu.wait_indirect_dma semaphore(%arg16 : memref<!tpu.dma_semaphore, #tpu.memory_space<semaphore_mem>>) src(%arg8 : memref<128xf32, #tpu.memory_space<vmem>>) dst(%dma_wait3A_91 : memref<614656xf32, #tpu.memory_space<vmem_shared>>)
    %dma_wait3A_92 = arith.constant 2 : i32
    %dma_wait3A_93 = arith.constant 0 : i32
    %dma_wait3A_94 = tpu.memref_slice %arg5[%dma_wait3A_92, %dma_wait3A_93] : memref<8x128xi32, #tpu.memory_space<vmem>> -> memref<1x128xi32, #tpu.memory_space<vmem>>
    %dma_wait3A_95 = tpu.memref_squeeze %dma_wait3A_94 : memref<1x128xi32, #tpu.memory_space<vmem>> -> memref<128xi32, #tpu.memory_space<vmem>>
    %dma_wait3A_96 = arith.constant 0 : i32
    %dma_wait3A_97 = tpu.memref_slice %arg10[%dma_wait3A_96] : memref<614656xf32, #tpu.memory_space<vmem_shared>> -> memref<614656xf32, #tpu.memory_space<vmem_shared>>
    tpu.wait_indirect_dma semaphore(%arg16 : memref<!tpu.dma_semaphore, #tpu.memory_space<semaphore_mem>>) src(%arg8 : memref<128xf32, #tpu.memory_space<vmem>>) dst(%dma_wait3A_97 : memref<614656xf32, #tpu.memory_space<vmem_shared>>)
    %dma_wait3A_98 = arith.constant 3 : i32
    %dma_wait3A_99 = arith.constant 0 : i32
    %dma_wait3A_100 = tpu.memref_slice %arg5[%dma_wait3A_98, %dma_wait3A_99] : memref<8x128xi32, #tpu.memory_space<vmem>> -> memref<1x128xi32, #tpu.memory_space<vmem>>
    %dma_wait3A_101 = tpu.memref_squeeze %dma_wait3A_100 : memref<1x128xi32, #tpu.memory_space<vmem>> -> memref<128xi32, #tpu.memory_space<vmem>>
    %dma_wait3A_102 = arith.constant 0 : i32
    %dma_wait3A_103 = tpu.memref_slice %arg10[%dma_wait3A_102] : memref<614656xf32, #tpu.memory_space<vmem_shared>> -> memref<614656xf32, #tpu.memory_space<vmem_shared>>
    tpu.wait_indirect_dma semaphore(%arg16 : memref<!tpu.dma_semaphore, #tpu.memory_space<semaphore_mem>>) src(%arg8 : memref<128xf32, #tpu.memory_space<vmem>>) dst(%dma_wait3A_103 : memref<614656xf32, #tpu.memory_space<vmem_shared>>)
    %dma_wait3A_104 = arith.constant 4 : i32
    %dma_wait3A_105 = arith.constant 0 : i32
    %dma_wait3A_106 = tpu.memref_slice %arg5[%dma_wait3A_104, %dma_wait3A_105] : memref<8x128xi32, #tpu.memory_space<vmem>> -> memref<1x128xi32, #tpu.memory_space<vmem>>
    %dma_wait3A_107 = tpu.memref_squeeze %dma_wait3A_106 : memref<1x128xi32, #tpu.memory_space<vmem>> -> memref<128xi32, #tpu.memory_space<vmem>>
    %dma_wait3A_108 = arith.constant 0 : i32
    %dma_wait3A_109 = tpu.memref_slice %arg10[%dma_wait3A_108] : memref<614656xf32, #tpu.memory_space<vmem_shared>> -> memref<614656xf32, #tpu.memory_space<vmem_shared>>
    tpu.wait_indirect_dma semaphore(%arg16 : memref<!tpu.dma_semaphore, #tpu.memory_space<semaphore_mem>>) src(%arg8 : memref<128xf32, #tpu.memory_space<vmem>>) dst(%dma_wait3A_109 : memref<614656xf32, #tpu.memory_space<vmem_shared>>)
    %dma_wait3A_110 = arith.constant 5 : i32
    %dma_wait3A_111 = arith.constant 0 : i32
    %dma_wait3A_112 = tpu.memref_slice %arg5[%dma_wait3A_110, %dma_wait3A_111] : memref<8x128xi32, #tpu.memory_space<vmem>> -> memref<1x128xi32, #tpu.memory_space<vmem>>
    %dma_wait3A_113 = tpu.memref_squeeze %dma_wait3A_112 : memref<1x128xi32, #tpu.memory_space<vmem>> -> memref<128xi32, #tpu.memory_space<vmem>>
    %dma_wait3A_114 = arith.constant 0 : i32
    %dma_wait3A_115 = tpu.memref_slice %arg10[%dma_wait3A_114] : memref<614656xf32, #tpu.memory_space<vmem_shared>> -> memref<614656xf32, #tpu.memory_space<vmem_shared>>
    tpu.wait_indirect_dma semaphore(%arg16 : memref<!tpu.dma_semaphore, #tpu.memory_space<semaphore_mem>>) src(%arg8 : memref<128xf32, #tpu.memory_space<vmem>>) dst(%dma_wait3A_115 : memref<614656xf32, #tpu.memory_space<vmem_shared>>)
    %dma_wait3A_116 = arith.constant 6 : i32
    %dma_wait3A_117 = arith.constant 0 : i32
    %dma_wait3A_118 = tpu.memref_slice %arg5[%dma_wait3A_116, %dma_wait3A_117] : memref<8x128xi32, #tpu.memory_space<vmem>> -> memref<1x128xi32, #tpu.memory_space<vmem>>
    %dma_wait3A_119 = tpu.memref_squeeze %dma_wait3A_118 : memref<1x128xi32, #tpu.memory_space<vmem>> -> memref<128xi32, #tpu.memory_space<vmem>>
    %dma_wait3A_120 = arith.constant 0 : i32
    %dma_wait3A_121 = tpu.memref_slice %arg10[%dma_wait3A_120] : memref<614656xf32, #tpu.memory_space<vmem_shared>> -> memref<614656xf32, #tpu.memory_space<vmem_shared>>
    tpu.wait_indirect_dma semaphore(%arg16 : memref<!tpu.dma_semaphore, #tpu.memory_space<semaphore_mem>>) src(%arg8 : memref<128xf32, #tpu.memory_space<vmem>>) dst(%dma_wait3A_121 : memref<614656xf32, #tpu.memory_space<vmem_shared>>)
    %dma_wait3A_122 = arith.constant 7 : i32
    %dma_wait3A_123 = arith.constant 0 : i32
    %dma_wait3A_124 = tpu.memref_slice %arg5[%dma_wait3A_122, %dma_wait3A_123] : memref<8x128xi32, #tpu.memory_space<vmem>> -> memref<1x128xi32, #tpu.memory_space<vmem>>
    %dma_wait3A_125 = tpu.memref_squeeze %dma_wait3A_124 : memref<1x128xi32, #tpu.memory_space<vmem>> -> memref<128xi32, #tpu.memory_space<vmem>>
    %dma_wait3A_126 = arith.constant 0 : i32
    %dma_wait3A_127 = tpu.memref_slice %arg10[%dma_wait3A_126] : memref<614656xf32, #tpu.memory_space<vmem_shared>> -> memref<614656xf32, #tpu.memory_space<vmem_shared>>
    tpu.wait_indirect_dma semaphore(%arg16 : memref<!tpu.dma_semaphore, #tpu.memory_space<semaphore_mem>>) src(%arg8 : memref<128xf32, #tpu.memory_space<vmem>>) dst(%dma_wait3A_127 : memref<614656xf32, #tpu.memory_space<vmem_shared>>)
    %dma_wait3A_128 = arith.constant 0 : i32
    %dma_wait3A_129 = arith.constant 0 : i32
    %dma_wait3A_130 = tpu.memref_slice %arg6[%dma_wait3A_128, %dma_wait3A_129] : memref<8x128xi32, #tpu.memory_space<vmem>> -> memref<1x128xi32, #tpu.memory_space<vmem>>
    %dma_wait3A_131 = tpu.memref_squeeze %dma_wait3A_130 : memref<1x128xi32, #tpu.memory_space<vmem>> -> memref<128xi32, #tpu.memory_space<vmem>>
    %dma_wait3A_132 = arith.constant 0 : i32
    %dma_wait3A_133 = tpu.memref_slice %arg10[%dma_wait3A_132] : memref<614656xf32, #tpu.memory_space<vmem_shared>> -> memref<614656xf32, #tpu.memory_space<vmem_shared>>
    tpu.wait_indirect_dma semaphore(%arg17 : memref<!tpu.dma_semaphore, #tpu.memory_space<semaphore_mem>>) src(%arg8 : memref<128xf32, #tpu.memory_space<vmem>>) dst(%dma_wait3A_133 : memref<614656xf32, #tpu.memory_space<vmem_shared>>)
    %dma_wait3A_134 = arith.constant 1 : i32
    %dma_wait3A_135 = arith.constant 0 : i32
    %dma_wait3A_136 = tpu.memref_slice %arg6[%dma_wait3A_134, %dma_wait3A_135] : memref<8x128xi32, #tpu.memory_space<vmem>> -> memref<1x128xi32, #tpu.memory_space<vmem>>
    %dma_wait3A_137 = tpu.memref_squeeze %dma_wait3A_136 : memref<1x128xi32, #tpu.memory_space<vmem>> -> memref<128xi32, #tpu.memory_space<vmem>>
    %dma_wait3A_138 = arith.constant 0 : i32
    %dma_wait3A_139 = tpu.memref_slice %arg10[%dma_wait3A_138] : memref<614656xf32, #tpu.memory_space<vmem_shared>> -> memref<614656xf32, #tpu.memory_space<vmem_shared>>
    tpu.wait_indirect_dma semaphore(%arg17 : memref<!tpu.dma_semaphore, #tpu.memory_space<semaphore_mem>>) src(%arg8 : memref<128xf32, #tpu.memory_space<vmem>>) dst(%dma_wait3A_139 : memref<614656xf32, #tpu.memory_space<vmem_shared>>)
    %dma_wait3A_140 = arith.constant 2 : i32
    %dma_wait3A_141 = arith.constant 0 : i32
    %dma_wait3A_142 = tpu.memref_slice %arg6[%dma_wait3A_140, %dma_wait3A_141] : memref<8x128xi32, #tpu.memory_space<vmem>> -> memref<1x128xi32, #tpu.memory_space<vmem>>
    %dma_wait3A_143 = tpu.memref_squeeze %dma_wait3A_142 : memref<1x128xi32, #tpu.memory_space<vmem>> -> memref<128xi32, #tpu.memory_space<vmem>>
    %dma_wait3A_144 = arith.constant 0 : i32
    %dma_wait3A_145 = tpu.memref_slice %arg10[%dma_wait3A_144] : memref<614656xf32, #tpu.memory_space<vmem_shared>> -> memref<614656xf32, #tpu.memory_space<vmem_shared>>
    tpu.wait_indirect_dma semaphore(%arg17 : memref<!tpu.dma_semaphore, #tpu.memory_space<semaphore_mem>>) src(%arg8 : memref<128xf32, #tpu.memory_space<vmem>>) dst(%dma_wait3A_145 : memref<614656xf32, #tpu.memory_space<vmem_shared>>)
    %dma_wait3A_146 = arith.constant 3 : i32
    %dma_wait3A_147 = arith.constant 0 : i32
    %dma_wait3A_148 = tpu.memref_slice %arg6[%dma_wait3A_146, %dma_wait3A_147] : memref<8x128xi32, #tpu.memory_space<vmem>> -> memref<1x128xi32, #tpu.memory_space<vmem>>
    %dma_wait3A_149 = tpu.memref_squeeze %dma_wait3A_148 : memref<1x128xi32, #tpu.memory_space<vmem>> -> memref<128xi32, #tpu.memory_space<vmem>>
    %dma_wait3A_150 = arith.constant 0 : i32
    %dma_wait3A_151 = tpu.memref_slice %arg10[%dma_wait3A_150] : memref<614656xf32, #tpu.memory_space<vmem_shared>> -> memref<614656xf32, #tpu.memory_space<vmem_shared>>
    tpu.wait_indirect_dma semaphore(%arg17 : memref<!tpu.dma_semaphore, #tpu.memory_space<semaphore_mem>>) src(%arg8 : memref<128xf32, #tpu.memory_space<vmem>>) dst(%dma_wait3A_151 : memref<614656xf32, #tpu.memory_space<vmem_shared>>)
    %dma_wait3A_152 = arith.constant 4 : i32
    %dma_wait3A_153 = arith.constant 0 : i32
    %dma_wait3A_154 = tpu.memref_slice %arg6[%dma_wait3A_152, %dma_wait3A_153] : memref<8x128xi32, #tpu.memory_space<vmem>> -> memref<1x128xi32, #tpu.memory_space<vmem>>
    %dma_wait3A_155 = tpu.memref_squeeze %dma_wait3A_154 : memref<1x128xi32, #tpu.memory_space<vmem>> -> memref<128xi32, #tpu.memory_space<vmem>>
    %dma_wait3A_156 = arith.constant 0 : i32
    %dma_wait3A_157 = tpu.memref_slice %arg10[%dma_wait3A_156] : memref<614656xf32, #tpu.memory_space<vmem_shared>> -> memref<614656xf32, #tpu.memory_space<vmem_shared>>
    tpu.wait_indirect_dma semaphore(%arg17 : memref<!tpu.dma_semaphore, #tpu.memory_space<semaphore_mem>>) src(%arg8 : memref<128xf32, #tpu.memory_space<vmem>>) dst(%dma_wait3A_157 : memref<614656xf32, #tpu.memory_space<vmem_shared>>)
    %dma_wait3A_158 = arith.constant 5 : i32
    %dma_wait3A_159 = arith.constant 0 : i32
    %dma_wait3A_160 = tpu.memref_slice %arg6[%dma_wait3A_158, %dma_wait3A_159] : memref<8x128xi32, #tpu.memory_space<vmem>> -> memref<1x128xi32, #tpu.memory_space<vmem>>
    %dma_wait3A_161 = tpu.memref_squeeze %dma_wait3A_160 : memref<1x128xi32, #tpu.memory_space<vmem>> -> memref<128xi32, #tpu.memory_space<vmem>>
    %dma_wait3A_162 = arith.constant 0 : i32
    %dma_wait3A_163 = tpu.memref_slice %arg10[%dma_wait3A_162] : memref<614656xf32, #tpu.memory_space<vmem_shared>> -> memref<614656xf32, #tpu.memory_space<vmem_shared>>
    tpu.wait_indirect_dma semaphore(%arg17 : memref<!tpu.dma_semaphore, #tpu.memory_space<semaphore_mem>>) src(%arg8 : memref<128xf32, #tpu.memory_space<vmem>>) dst(%dma_wait3A_163 : memref<614656xf32, #tpu.memory_space<vmem_shared>>)
    %dma_wait3A_164 = arith.constant 6 : i32
    %dma_wait3A_165 = arith.constant 0 : i32
    %dma_wait3A_166 = tpu.memref_slice %arg6[%dma_wait3A_164, %dma_wait3A_165] : memref<8x128xi32, #tpu.memory_space<vmem>> -> memref<1x128xi32, #tpu.memory_space<vmem>>
    %dma_wait3A_167 = tpu.memref_squeeze %dma_wait3A_166 : memref<1x128xi32, #tpu.memory_space<vmem>> -> memref<128xi32, #tpu.memory_space<vmem>>
    %dma_wait3A_168 = arith.constant 0 : i32
    %dma_wait3A_169 = tpu.memref_slice %arg10[%dma_wait3A_168] : memref<614656xf32, #tpu.memory_space<vmem_shared>> -> memref<614656xf32, #tpu.memory_space<vmem_shared>>
    tpu.wait_indirect_dma semaphore(%arg17 : memref<!tpu.dma_semaphore, #tpu.memory_space<semaphore_mem>>) src(%arg8 : memref<128xf32, #tpu.memory_space<vmem>>) dst(%dma_wait3A_169 : memref<614656xf32, #tpu.memory_space<vmem_shared>>)
    %dma_wait3A_170 = arith.constant 7 : i32
    %dma_wait3A_171 = arith.constant 0 : i32
    %dma_wait3A_172 = tpu.memref_slice %arg6[%dma_wait3A_170, %dma_wait3A_171] : memref<8x128xi32, #tpu.memory_space<vmem>> -> memref<1x128xi32, #tpu.memory_space<vmem>>
    %dma_wait3A_173 = tpu.memref_squeeze %dma_wait3A_172 : memref<1x128xi32, #tpu.memory_space<vmem>> -> memref<128xi32, #tpu.memory_space<vmem>>
    %dma_wait3A_174 = arith.constant 0 : i32
    %dma_wait3A_175 = tpu.memref_slice %arg10[%dma_wait3A_174] : memref<614656xf32, #tpu.memory_space<vmem_shared>> -> memref<614656xf32, #tpu.memory_space<vmem_shared>>
    tpu.wait_indirect_dma semaphore(%arg17 : memref<!tpu.dma_semaphore, #tpu.memory_space<semaphore_mem>>) src(%arg8 : memref<128xf32, #tpu.memory_space<vmem>>) dst(%dma_wait3A_175 : memref<614656xf32, #tpu.memory_space<vmem_shared>>)
    %dma_wait3A_176 = arith.constant 0 : i32
    %dma_wait3A_177 = arith.constant 0 : i32
    %dma_wait3A_178 = tpu.memref_slice %arg7[%dma_wait3A_176, %dma_wait3A_177] : memref<8x128xi32, #tpu.memory_space<vmem>> -> memref<1x128xi32, #tpu.memory_space<vmem>>
    %dma_wait3A_179 = tpu.memref_squeeze %dma_wait3A_178 : memref<1x128xi32, #tpu.memory_space<vmem>> -> memref<128xi32, #tpu.memory_space<vmem>>
    %dma_wait3A_180 = arith.constant 0 : i32
    %dma_wait3A_181 = tpu.memref_slice %arg10[%dma_wait3A_180] : memref<614656xf32, #tpu.memory_space<vmem_shared>> -> memref<614656xf32, #tpu.memory_space<vmem_shared>>
    tpu.wait_indirect_dma semaphore(%arg18 : memref<!tpu.dma_semaphore, #tpu.memory_space<semaphore_mem>>) src(%arg8 : memref<128xf32, #tpu.memory_space<vmem>>) dst(%dma_wait3A_181 : memref<614656xf32, #tpu.memory_space<vmem_shared>>)
    %dma_wait3A_182 = arith.constant 1 : i32
    %dma_wait3A_183 = arith.constant 0 : i32
    %dma_wait3A_184 = tpu.memref_slice %arg7[%dma_wait3A_182, %dma_wait3A_183] : memref<8x128xi32, #tpu.memory_space<vmem>> -> memref<1x128xi32, #tpu.memory_space<vmem>>
    %dma_wait3A_185 = tpu.memref_squeeze %dma_wait3A_184 : memref<1x128xi32, #tpu.memory_space<vmem>> -> memref<128xi32, #tpu.memory_space<vmem>>
    %dma_wait3A_186 = arith.constant 0 : i32
    %dma_wait3A_187 = tpu.memref_slice %arg10[%dma_wait3A_186] : memref<614656xf32, #tpu.memory_space<vmem_shared>> -> memref<614656xf32, #tpu.memory_space<vmem_shared>>
    tpu.wait_indirect_dma semaphore(%arg18 : memref<!tpu.dma_semaphore, #tpu.memory_space<semaphore_mem>>) src(%arg8 : memref<128xf32, #tpu.memory_space<vmem>>) dst(%dma_wait3A_187 : memref<614656xf32, #tpu.memory_space<vmem_shared>>)
    %dma_wait3A_188 = arith.constant 2 : i32
    %dma_wait3A_189 = arith.constant 0 : i32
    %dma_wait3A_190 = tpu.memref_slice %arg7[%dma_wait3A_188, %dma_wait3A_189] : memref<8x128xi32, #tpu.memory_space<vmem>> -> memref<1x128xi32, #tpu.memory_space<vmem>>
    %dma_wait3A_191 = tpu.memref_squeeze %dma_wait3A_190 : memref<1x128xi32, #tpu.memory_space<vmem>> -> memref<128xi32, #tpu.memory_space<vmem>>
    %dma_wait3A_192 = arith.constant 0 : i32
    %dma_wait3A_193 = tpu.memref_slice %arg10[%dma_wait3A_192] : memref<614656xf32, #tpu.memory_space<vmem_shared>> -> memref<614656xf32, #tpu.memory_space<vmem_shared>>
    tpu.wait_indirect_dma semaphore(%arg18 : memref<!tpu.dma_semaphore, #tpu.memory_space<semaphore_mem>>) src(%arg8 : memref<128xf32, #tpu.memory_space<vmem>>) dst(%dma_wait3A_193 : memref<614656xf32, #tpu.memory_space<vmem_shared>>)
    %dma_wait3A_194 = arith.constant 3 : i32
    %dma_wait3A_195 = arith.constant 0 : i32
    %dma_wait3A_196 = tpu.memref_slice %arg7[%dma_wait3A_194, %dma_wait3A_195] : memref<8x128xi32, #tpu.memory_space<vmem>> -> memref<1x128xi32, #tpu.memory_space<vmem>>
    %dma_wait3A_197 = tpu.memref_squeeze %dma_wait3A_196 : memref<1x128xi32, #tpu.memory_space<vmem>> -> memref<128xi32, #tpu.memory_space<vmem>>
    %dma_wait3A_198 = arith.constant 0 : i32
    %dma_wait3A_199 = tpu.memref_slice %arg10[%dma_wait3A_198] : memref<614656xf32, #tpu.memory_space<vmem_shared>> -> memref<614656xf32, #tpu.memory_space<vmem_shared>>
    tpu.wait_indirect_dma semaphore(%arg18 : memref<!tpu.dma_semaphore, #tpu.memory_space<semaphore_mem>>) src(%arg8 : memref<128xf32, #tpu.memory_space<vmem>>) dst(%dma_wait3A_199 : memref<614656xf32, #tpu.memory_space<vmem_shared>>)
    %dma_wait3A_200 = arith.constant 4 : i32
    %dma_wait3A_201 = arith.constant 0 : i32
    %dma_wait3A_202 = tpu.memref_slice %arg7[%dma_wait3A_200, %dma_wait3A_201] : memref<8x128xi32, #tpu.memory_space<vmem>> -> memref<1x128xi32, #tpu.memory_space<vmem>>
    %dma_wait3A_203 = tpu.memref_squeeze %dma_wait3A_202 : memref<1x128xi32, #tpu.memory_space<vmem>> -> memref<128xi32, #tpu.memory_space<vmem>>
    %dma_wait3A_204 = arith.constant 0 : i32
    %dma_wait3A_205 = tpu.memref_slice %arg10[%dma_wait3A_204] : memref<614656xf32, #tpu.memory_space<vmem_shared>> -> memref<614656xf32, #tpu.memory_space<vmem_shared>>
    tpu.wait_indirect_dma semaphore(%arg18 : memref<!tpu.dma_semaphore, #tpu.memory_space<semaphore_mem>>) src(%arg8 : memref<128xf32, #tpu.memory_space<vmem>>) dst(%dma_wait3A_205 : memref<614656xf32, #tpu.memory_space<vmem_shared>>)
    %dma_wait3A_206 = arith.constant 5 : i32
    %dma_wait3A_207 = arith.constant 0 : i32
    %dma_wait3A_208 = tpu.memref_slice %arg7[%dma_wait3A_206, %dma_wait3A_207] : memref<8x128xi32, #tpu.memory_space<vmem>> -> memref<1x128xi32, #tpu.memory_space<vmem>>
    %dma_wait3A_209 = tpu.memref_squeeze %dma_wait3A_208 : memref<1x128xi32, #tpu.memory_space<vmem>> -> memref<128xi32, #tpu.memory_space<vmem>>
    %dma_wait3A_210 = arith.constant 0 : i32
    %dma_wait3A_211 = tpu.memref_slice %arg10[%dma_wait3A_210] : memref<614656xf32, #tpu.memory_space<vmem_shared>> -> memref<614656xf32, #tpu.memory_space<vmem_shared>>
    tpu.wait_indirect_dma semaphore(%arg18 : memref<!tpu.dma_semaphore, #tpu.memory_space<semaphore_mem>>) src(%arg8 : memref<128xf32, #tpu.memory_space<vmem>>) dst(%dma_wait3A_211 : memref<614656xf32, #tpu.memory_space<vmem_shared>>)
    %dma_wait3A_212 = arith.constant 6 : i32
    %dma_wait3A_213 = arith.constant 0 : i32
    %dma_wait3A_214 = tpu.memref_slice %arg7[%dma_wait3A_212, %dma_wait3A_213] : memref<8x128xi32, #tpu.memory_space<vmem>> -> memref<1x128xi32, #tpu.memory_space<vmem>>
    %dma_wait3A_215 = tpu.memref_squeeze %dma_wait3A_214 : memref<1x128xi32, #tpu.memory_space<vmem>> -> memref<128xi32, #tpu.memory_space<vmem>>
    %dma_wait3A_216 = arith.constant 0 : i32
    %dma_wait3A_217 = tpu.memref_slice %arg10[%dma_wait3A_216] : memref<614656xf32, #tpu.memory_space<vmem_shared>> -> memref<614656xf32, #tpu.memory_space<vmem_shared>>
    tpu.wait_indirect_dma semaphore(%arg18 : memref<!tpu.dma_semaphore, #tpu.memory_space<semaphore_mem>>) src(%arg8 : memref<128xf32, #tpu.memory_space<vmem>>) dst(%dma_wait3A_217 : memref<614656xf32, #tpu.memory_space<vmem_shared>>)
    %dma_wait3A_218 = arith.constant 7 : i32
    %dma_wait3A_219 = arith.constant 0 : i32
    %dma_wait3A_220 = tpu.memref_slice %arg7[%dma_wait3A_218, %dma_wait3A_219] : memref<8x128xi32, #tpu.memory_space<vmem>> -> memref<1x128xi32, #tpu.memory_space<vmem>>
    %dma_wait3A_221 = tpu.memref_squeeze %dma_wait3A_220 : memref<1x128xi32, #tpu.memory_space<vmem>> -> memref<128xi32, #tpu.memory_space<vmem>>
    %dma_wait3A_222 = arith.constant 0 : i32
    %dma_wait3A_223 = tpu.memref_slice %arg10[%dma_wait3A_222] : memref<614656xf32, #tpu.memory_space<vmem_shared>> -> memref<614656xf32, #tpu.memory_space<vmem_shared>>
    tpu.wait_indirect_dma semaphore(%arg18 : memref<!tpu.dma_semaphore, #tpu.memory_space<semaphore_mem>>) src(%arg8 : memref<128xf32, #tpu.memory_space<vmem>>) dst(%dma_wait3A_223 : memref<614656xf32, #tpu.memory_space<vmem_shared>>)
    %barrier3A_224 = arith.constant 0 : index
    tpu.barrier barrier_id(%barrier3A_224)
    %mul3A_225 = arith.constant 38400 : i32
    %mul3A_226 = arith.muli %arg1, %mul3A_225 : i32
    %mul3A_227 = arith.constant 614400 : i32
    %mul3A_228 = arith.muli %arg0, %mul3A_227 : i32
    %mul3A_229 = arith.constant 38400 : i32
    %mul3A_230 = arith.muli %arg1, %mul3A_229 : i32
    %add3A_231 = arith.addi %mul3A_228, %mul3A_230 : i32
    "tpu.region"() ({
      %run_scoped3A = tpu.sem_alloc : memref<!tpu.dma_semaphore, #tpu.memory_space<semaphore_mem>>
      %dma_start3A_232 = tpu.memref_slice %arg3[%add3A_231] : memref<1228800xf32, #tpu.memory_space<hbm>> -> memref<38400xf32, #tpu.memory_space<hbm>>
      %dma_start3A_233 = tpu.memref_slice %arg10[%mul3A_226] : memref<614656xf32, #tpu.memory_space<vmem_shared>> -> memref<38400xf32, #tpu.memory_space<vmem_shared>>
      tpu.enqueue_dma source(%dma_start3A_233 : memref<38400xf32, #tpu.memory_space<vmem_shared>>) target(%dma_start3A_232 : memref<38400xf32, #tpu.memory_space<hbm>>) target_semaphore(%run_scoped3A : memref<!tpu.dma_semaphore, #tpu.memory_space<semaphore_mem>>)
      %dma_wait3A_234 = tpu.memref_slice %arg3[%add3A_231] : memref<1228800xf32, #tpu.memory_space<hbm>> -> memref<38400xf32, #tpu.memory_space<hbm>>
      %dma_wait3A_235 = tpu.memref_slice %arg10[%mul3A_226] : memref<614656xf32, #tpu.memory_space<vmem_shared>> -> memref<38400xf32, #tpu.memory_space<vmem_shared>>
      tpu.wait_dma2 semaphore(%run_scoped3A : memref<!tpu.dma_semaphore, #tpu.memory_space<semaphore_mem>>) src(%dma_wait3A_235 : memref<38400xf32, #tpu.memory_space<vmem_shared>>) dst(%dma_wait3A_234 : memref<38400xf32, #tpu.memory_space<hbm>>)
      tpu.yield
    }) : () -> ()
    return
  }
}

module attributes {stable_mosaic.version = 14 : i64} {
  func.func @_index_body(%arg0: i32, %arg1: memref<4x64x128xf32, #tpu.memory_space<vmem>>, %arg2: memref<64x128xi32, #tpu.memory_space<vmem>>) attributes {dimension_semantics = [#tpu.dimension_semantics<arbitrary>], iteration_bounds = array<i64: 128>, scalar_prefetch = 0 : i64, scratch_operands = 0 : i64, tpu.core_type = #tpu.core_type<tc>, window_params = [{transform_indices = @transform_0, window_bounds = array<i64: 4, 64, 128>}, {transform_indices = @transform_1, window_bounds = array<i64: 64, 128>}]} {
    %get3A = arith.constant 0 : index
    %get3A_0 = arith.constant 0 : index
    %get3A_1 = arith.constant 0 : index
    %get3A_2 = vector.load %arg1[%get3A, %get3A_0, %get3A_1] : memref<4x64x128xf32, #tpu.memory_space<vmem>>, vector<1x64x128xf32>
    %get3A_3 = vector.shape_cast %get3A_2 : vector<1x64x128xf32> to vector<64x128xf32>
    %get3A_4 = arith.constant 1 : index
    %get3A_5 = arith.constant 0 : index
    %get3A_6 = arith.constant 0 : index
    %get3A_7 = vector.load %arg1[%get3A_4, %get3A_5, %get3A_6] : memref<4x64x128xf32, #tpu.memory_space<vmem>>, vector<1x64x128xf32>
    %get3A_8 = vector.shape_cast %get3A_7 : vector<1x64x128xf32> to vector<64x128xf32>
    %get3A_9 = arith.constant 3 : index
    %get3A_10 = arith.constant 0 : index
    %get3A_11 = arith.constant 0 : index
    %get3A_12 = vector.load %arg1[%get3A_9, %get3A_10, %get3A_11] : memref<4x64x128xf32, #tpu.memory_space<vmem>>, vector<1x64x128xf32>
    %get3A_13 = vector.shape_cast %get3A_12 : vector<1x64x128xf32> to vector<64x128xf32>
    %gt3A = arith.constant 0.000000e+00 : f32
    %gt3A_14 = vector.broadcast %gt3A : f32 to vector<64x128xf32>
    %gt3A_15 = arith.cmpf ogt, %get3A_13, %gt3A_14 : vector<64x128xf32>
    %jit3A = arith.constant 0.000000e+00 : f32
    %jit3A_16 = arith.constant 3.072000e+05 : f32
    %broadcast_in_dim3A = vector.broadcast %jit3A : f32 to vector<64x128xf32>
    %broadcast_in_dim3A_17 = vector.broadcast %jit3A_16 : f32 to vector<64x128xf32>
    %select_n3A = arith.select %gt3A_15, %broadcast_in_dim3A, %broadcast_in_dim3A_17 : vector<64x128xi1>, vector<64x128xf32>
    %mul3A = arith.constant 6.400000e+02 : f32
    %mul3A_18 = vector.broadcast %mul3A : f32 to vector<64x128xf32>
    %mul3A_19 = arith.mulf %get3A_8, %mul3A_18 : vector<64x128xf32>
    %add3A = arith.addf %select_n3A, %mul3A_19 : vector<64x128xf32>
    %add3A_20 = arith.addf %add3A, %get3A_3 : vector<64x128xf32>
    %iota3A = tpu.iota {dimensions = array<i32: 0>} : vector<64x128xi32>
    %iota3A_21 = tpu.iota {dimensions = array<i32: 1>} : vector<64x128xi32>
    %mul3A_22 = arith.constant 64 : i32
    %mul3A_23 = arith.muli %arg0, %mul3A_22 : i32
    %add3A_24 = vector.broadcast %mul3A_23 : i32 to vector<64x128xi32>
    %add3A_25 = arith.addi %add3A_24, %iota3A : vector<64x128xi32>
    %mul3A_26 = arith.constant 128 : i32
    %mul3A_27 = vector.broadcast %mul3A_26 : i32 to vector<64x128xi32>
    %mul3A_28 = arith.muli %add3A_25, %mul3A_27 : vector<64x128xi32>
    %add3A_29 = arith.addi %mul3A_28, %iota3A_21 : vector<64x128xi32>
    %lt3A = arith.constant 1000000 : i32
    %lt3A_30 = vector.broadcast %lt3A : i32 to vector<64x128xi32>
    %lt3A_31 = arith.cmpi slt, %add3A_29, %lt3A_30 : vector<64x128xi32>
    %jit3A_32 = arith.constant 6.144000e+05 : f32
    %broadcast_in_dim3A_33 = vector.broadcast %jit3A_32 : f32 to vector<64x128xf32>
    %select_n3A_34 = arith.select %lt3A_31, %add3A_20, %broadcast_in_dim3A_33 : vector<64x128xi1>, vector<64x128xf32>
    %convert_element_type3A = arith.fptosi %select_n3A_34 : vector<64x128xf32> to vector<64x128xi32>
    %swap3A = arith.constant 0 : index
    %swap3A_35 = arith.constant 0 : index
    %swap3A_36 = vector.load %arg2[%swap3A, %swap3A_35] : memref<64x128xi32, #tpu.memory_space<vmem>>, vector<64x128xi32>
    tpu.vector_store %arg2[%swap3A, %swap3A_35], %convert_element_type3A {strides = array<i32>} : memref<64x128xi32, #tpu.memory_space<vmem>>, vector<64x128xi32>,
    return
  }
  func.func @transform_0(%arg0: i32) -> (i32, i32, i32) {
    %c0_i32 = arith.constant 0 : i32
    %c0_i32_0 = arith.constant 0 : i32
    %c0_i32_1 = arith.constant 0 : i32
    return %c0_i32, %arg0, %c0_i32_0 : i32, i32, i32
  }
  func.func @transform_1(%arg0: i32) -> (i32, i32) {
    %c0_i32 = arith.constant 0 : i32
    %c0_i32_0 = arith.constant 0 : i32
    return %arg0, %c0_i32 : i32, i32
  }
}

module attributes {stable_mosaic.version = 14 : i64} {
  func.func @_combine_body(%arg0: memref<1228800xf32, #tpu.memory_space<vmem>>, %arg1: memref<614400xf32, #tpu.memory_space<vmem>>) attributes {dimension_semantics = [], scalar_prefetch = 0 : i64, scratch_operands = 0 : i64, tpu.core_type = #tpu.core_type<tc>} {
    %get3A = arith.constant 0 : index
    %get3A_0 = vector.load %arg0[%get3A] : memref<1228800xf32, #tpu.memory_space<vmem>>, vector<614400xf32>
    %get3A_1 = arith.constant 614400 : index
    %get3A_2 = vector.load %arg0[%get3A_1] : memref<1228800xf32, #tpu.memory_space<vmem>>, vector<614400xf32>
    %max3A = arith.maximumf %get3A_0, %get3A_2 : vector<614400xf32>
    %swap3A = arith.constant 0 : index
    %swap3A_3 = vector.load %arg1[%swap3A] : memref<614400xf32, #tpu.memory_space<vmem>>, vector<614400xf32>
    tpu.vector_store %arg1[%swap3A], %max3A {strides = array<i32>} : memref<614400xf32, #tpu.memory_space<vmem>>, vector<614400xf32>,
    return
  }
}

</mosaic_0001>

<sc_bundles>
// kernel: kernel.5.cloned.1.call-start
scs
__scs_entry_jumppad:
0x0: {  	(pc) =	sbr.rel $0x88, $3  }
0x1: {  	(tag) =	ssettag $0x0;
	lr =	simm.s32 $0x1  }
0x2: {  	[smem:$0x3FA0] =	sst lr;
	_ =	strace $0xD0000000  }
0x3: {  	_ = 	snop  }
0x4: {  	_ = 	snop  }
0x5: {  	_ = 	snop  }
0x6: {  	_ = 	snop  }
0x7: {  	_ = 	snop  }
__scs_overlays_trampoline_lowered:
0x8: {  	[smem:$0x3FAF] =	sst s0  }
0x9: {  	[smem:$0x3FB0] =	sst s1  }
0xa: {  	[smem:$0x3FB1] =	sst s2  }
0xb: {  	[smem:$0x3FB2] =	sst s3  }
0xc: {  	[smem:$0x3FB3] =	sst s4  }
0xd: {  	[smem:$0x3FB4] =	sst s5  }
0xe: {  	[smem:$0x3FB5] =	sst s6  }
0xf: {  	[smem:$0x3FB6] =	sst s7  }
0x10: {  	[smem:$0x3FB7] =	sst s8  }
0x11: {  	[smem:$0x3FB8] =	sst s9;
	s0 =	simm.s32 @!p0 $0x0  }
0x12: {  	s1 =	sld [smem:$0x3F9E];
	s0 =	simm.s32 @p0 $0x1  }
0x13: {  	[smem:$0x3FB9] =	sst s0;
	s0 =	simm.s32 @!p1 $0x0  }
0x14: {  	s2 =	sld [smem:$0x3F9D];
	s0 =	simm.s32 @p1 $0x1  }
0x15: {  	[smem:$0x3FBA] =	sst s0;
	s0 =	simm.s32 @!p2 $0x0  }
0x16: {  	s3 =	sld [smem:$0x3FDB];
	s0 =	simm.s32 @p2 $0x1  }
0x17: {  	s4 =	simm.s32 $0x1BF5;
	[smem:$0x3FBC] =	sst s0  }
0x18: {  	s0 =	sld [smem:$0x3F9F];
	_ =	swait.ge [sflag:s4], $0x0  }
0x19: {  	s7 =	sld [smem:$0x3FA0]  }
0x1a: {  	s8 =	sadd.s32 $0xFFFFE003, lr  }
0x1b: {  	s9 =	sadd.s32 $0xFFFFFEF7, lr;
	s5 =	simm.s32 $0xFFFFFFFF;
	p2 =	slt.u32 s8, $0xFFFFF086  }
0x1c: {  	p1 =	slt.u32 s9, $0xF7A;
	s5 =	simm.s32 @!p2 $0x0  }
0x1d: {  	s5 =	simm.s32 @p1 $0x1;
	p0 =	seq.s32 s7, s2  }
0x1e: {  	s7 =	smul.u32 @!p0 $0xF7A, s2;
	p2 =	seq.s32 @!p0 s5, $0x0  }
0x1f: {  	s9 =	smul.u32 $0xF7A, s1;
	s8 =	simm.s32 @!p0 $0x1BF5;
	p2 =	por !p2, p0  }
0x20: {  	[sflag:s8] =	ssyncset.s32 @!p0 $0xFFFFF086;
	s6 =	sadd.s32 @!p0 s3, s7;
	s7 =	simm.s32 @!p0 $0x108  }
0x21: {  	s3 =	sadd.s32 s3, s9;
	s6 =	sadd.s32 @!p0 $0x88, s6;
	s7 =	simm.s32 @p2 $0x1082  }
0x22: {  	[simem:s7], [sflag:s8] =	dma.local @!p0 [hbm:s6], $0xF7A  }
0x23: {  	s9 =	sor.u32 $0xD0000000, s2;
	s6 =	simm.s32 $0x108;
	_ =	swait.ge @!p0 [sflag:s8], $0x0  }
0x24: {  	s3 =	sadd.s32 $0x88, s3;
	s6 =	simm.s32 @!p1 $0x1082;
	[sflag:s4] =	ssyncset.s32 $0xFFFFF086  }
0x25: {  	[simem:s6], [sflag:s4] =	dma.local [hbm:s3], $0xF7A  }
0x26: {  	[smem:$0x3FA0] =	sst s1;
	(tag) =	ssettag s2;
	_ =	strace s9  }
0x27: {  	s1 =	sld [smem:$0x3FB0]  }
0x28: {  	s2 =	sld [smem:$0x3FB1]  }
0x29: {  	s4 =	sld [smem:$0x3FB3]  }
0x2a: {  	p0 =	seq.s32 s5, $0x0;
	s5 =	sld [smem:$0x3FB4]  }
0x2b: {  	s6 =	sld [smem:$0x3FB5]  }
0x2c: {  	s7 =	sld [smem:$0x3FB6]  }
0x2d: {  	s3 =	simm.s32 $0x108;
	s8 =	sld [smem:$0x3FB7]  }
0x2e: {  	s3 =	simm.s32 @!p0 $0x1082;
	s9 =	sld [smem:$0x3FB8]  }
0x2f: {  	lr =	sadd.s32 s0, s3;
	s0 =	sld [smem:$0x3FAF]  }
0x30: {  	s3 =	sld [smem:$0x3FB2]  }
0x31: {  	[smem:$0x3FBB] =	sst s10  }
0x32: {  	s10 =	sld [smem:$0x3FB9];
	_ =	sdelay $0x3  }
0x33: {  	p0 =	seq.s32 s10, $0x1;
	s10 =	sld [smem:$0x3FBB];
	_ =	sdelay $0x3  }
0x34: {  	[smem:$0x3FBB] =	sst s10  }
0x35: {  	s10 =	sld [smem:$0x3FBA];
	_ =	sdelay $0x3  }
0x36: {  	p1 =	seq.s32 s10, $0x1;
	s10 =	sld [smem:$0x3FBB];
	_ =	sdelay $0x3  }
0x37: {  	[smem:$0x3FBB] =	sst s10  }
0x38: {  	s10 =	sld [smem:$0x3FBC]  }
0x39: {  	_ = 	snop;
	(pc) =	sbr.ind lr, $3  }
0x3a: {  	_ = 	snop  }
0x3b: {  	_ = 	snop  }
0x3c: {  	p2 =	seq.s32 s10, $0x1;
	s10 =	sld [smem:$0x3FBB]  }
0x3d: {  	_ =	shalt  }
0x3e: {  	_ =	shalt  }
0x3f: {  	_ =	shalt  }
0x40: {  	_ =	shalt  }
0x41: {  	_ =	shalt  }
0x42: {  	_ =	shalt  }
0x43: {  	_ =	shalt  }
0x44: {  	_ =	shalt  }
0x45: {  	_ =	shalt  }
0x46: {  	_ =	shalt  }
0x47: {  	_ =	shalt  }
0x48: {  	_ =	shalt  }
0x49: {  	_ =	shalt  }
0x4a: {  	_ =	shalt  }
0x4b: {  	_ =	shalt  }
0x4c: {  	_ =	shalt  }
0x4d: {  	_ =	shalt  }
0x4e: {  	_ =	shalt  }
0x4f: {  	_ =	shalt  }
0x50: {  	_ =	shalt  }
0x51: {  	_ =	shalt  }
0x52: {  	_ =	shalt  }
0x53: {  	_ =	shalt  }
0x54: {  	_ =	shalt  }
0x55: {  	_ =	shalt  }
0x56: {  	_ =	shalt  }
0x57: {  	_ =	shalt  }
0x58: {  	_ =	shalt  }
0x59: {  	_ =	shalt  }
0x5a: {  	_ =	shalt  }
0x5b: {  	_ =	shalt  }
0x5c: {  	_ =	shalt  }
0x5d: {  	_ =	shalt  }
0x5e: {  	_ =	shalt  }
0x5f: {  	_ =	shalt  }
0x60: {  	_ =	shalt  }
0x61: {  	_ =	shalt  }
0x62: {  	_ =	shalt  }
0x63: {  	_ =	shalt  }
0x64: {  	_ =	shalt  }
0x65: {  	_ =	shalt  }
0x66: {  	_ =	shalt  }
0x67: {  	_ =	shalt  }
0x68: {  	_ =	shalt  }
0x69: {  	_ =	shalt  }
0x6a: {  	_ =	shalt  }
0x6b: {  	_ =	shalt  }
0x6c: {  	_ =	shalt  }
0x6d: {  	_ =	shalt  }
0x6e: {  	_ =	shalt  }
0x6f: {  	_ =	shalt  }
0x70: {  	_ =	shalt  }
0x71: {  	_ =	shalt  }
0x72: {  	_ =	shalt  }
0x73: {  	_ =	shalt  }
0x74: {  	_ =	shalt  }
0x75: {  	_ =	shalt  }
0x76: {  	_ =	shalt  }
0x77: {  	_ =	shalt  }
0x78: {  	_ =	shalt  }
0x79: {  	_ =	shalt  }
0x7a: {  	_ =	shalt  }
0x7b: {  	_ =	shalt  }
0x7c: {  	_ =	shalt  }
0x7d: {  	_ =	shalt  }
0x7e: {  	_ =	shalt  }
0x7f: {  	_ =	shalt  }
0x80: {  	_ =	shalt  }
0x81: {  	_ =	shalt  }
0x82: {  	_ =	shalt  }
0x83: {  	_ =	shalt  }
0x84: {  	_ =	shalt  }
0x85: {  	_ =	shalt  }
0x86: {  	_ =	shalt  }
0x87: {  	_ =	shalt  }
.Lfunc_end0:
.L_simem_size_0:
called_computation_lowered:
.L_overlay_start_0:
0x88: {  	s2 =	sld [smem:$0x3FD9]  }
0x89: {  	s3 =	sld [smem:$0x3FFE];
	_ =	sdelay $0x1  }
0x8a: {  	s1 =	srdreg.scid  }
0x8b: {  	s0 =	sand.u32 $0x1, s1  }
0x8c: {  	s16 =	sshll.u32 s0, $0xA;
	s2 =	sadd.s32 s3, s2  }
0x8d: {  	s2 =	sadd.s32 s2, s16  }
0x8e: {  	[smem:$0x3FC7] =	sst s2  }
0x8f: {  	_ = 	snop  }
0x90: {  	(tm) =	ssettm $0x1  }
0x91: {  	s17 =	sld [smem:$0x3FFB];
	_ =	sdelay $0x3  }
0x92: {  	_ =	strace s17  }
0x93: {  	s2 =	sld [smem:$0x3FFC];
	_ =	sdelay $0x3  }
0x94: {  	_ =	strace s2  }
0x95: {  	s2 =	sld [smem:$0x3FFD];
	_ =	sdelay $0x3  }
0x96: {  	_ =	strace s2  }
0x97: {  	_ =	strace $0x8FFFFFFF  }
0x98: {  	s18 =	sld [smem:$0x3FDB];
	_ =	sdelay $0x1  }
0x99: {  	s19 =	simm.s32 $_scs_section_size  }
0x9a: {  	s4 =	simm.s32 $_size__tile_overlayer_lowered;
	s5 =	simm.s32 $_tile_overlayer_lowered  }
0x9b: {  	s22 =	simm.s32 $0x1BFF;
	s21 =	sshll.u32 s5, $0x1;
	s2 =	sadd.s32 s19, s18  }
0x9c: {  	s6 =	simm.s32 $0x0;
	s20 =	sshll.u32 s4, $0x1;
	s4 =	sadd.s32 s21, s2  }
0x9d: {  	[timem:s6], [sflag:s22] =	dma.local [hbm:s4], s20  }
0x9e: {  	_ =	swait.ge [sflag:s22], s20  }
0x9f: {  	s3 =	ssub.s32 $0x0, s20;
	[sflag:s22] =	ssyncset.done $0x0  }
0xa0: {  	[sflag:s22] =	ssyncadd.s32 s3;
	_ =	sdelay $0x1  }
0xa1: {  	s23 =	simm.s32 $0x1B8B  }
0xa2: {  	_ =	swait.ge [sflag:s23], $0x1  }
0xa3: {  	[sflag:s23] =	ssyncset.done $0x0  }
0xa4: {  	s25 =	simm.s32 $0x1B8E;
	s24 =	sld [smem:$0x3FFE];
	[sflag:s23] =	ssyncadd.s32 $0xFFFFFFFF  }
0xa5: {  	s26 =	simm.s32 $execute0_lowered;
	[smem:$0x3FD2] =	sst s25  }
0xa6: {  	s4 =	sshll.u32 s26, $0x1;
	_ =	strace $0x80000046;
	[dreg:$0x1] =	wrdreg $0xFFFFFFFF  }
0xa7: {  	s28 =	simm.s32 $_size_execute0_lowered;
	s2 =	sadd.s32 s2, s4;
	[dreg:$0x0] =	wrdreg $0x0  }
0xa8: {  	s4 =	sshll.u32 s28, $0x1;
	[dreg:$0x2] =	wrdreg s2  }
0xa9: {  	[dreg:$0x3] =	wrdreg s4  }
0xaa: {  	[dreg:$0x4] =	wrdreg $0xC0  }
0xab: {  	_ =	task [dreg:s6], $0x5FFFF  }
0xac: {  	[dreg:$0x1] =	wrdreg $0xFFFFFFFF  }
0xad: {  	[dreg:$0x0] =	wrdreg $0x60  }
0xae: {  	[dreg:$0x2] =	wrdreg s24  }
0xaf: {  	[dreg:$0x3] =	wrdreg $0x23800  }
0xb0: {  	[dreg:$0x4] =	wrdreg $0x9  }
0xb1: {  	_ =	task.clear_ibuf [dreg:s6], $0x5FFFF;
	_ =	strace $0x90000046  }
0xb2: {  	s29 =	simm.s32 $0x9;
	_ =	strace $0x80000048  }
0xb3: {  	_ =	swait.ge [sflag:s29], $0x1  }
0xb4: {  	[sflag:s29] =	ssyncadd.s32 $0xFFFFFFFF  }
0xb5: {  	_ =	strace $0x90000048  }
0xb6: {  	_ =	sfence  }
0xb7: {  	s30 =	sld [smem:$0x0];
	_ =	sdelay $0x2  }
0xb8: {  	s31 =	sshll.u32 s1, $0xD;
	s1 =	sshrl.u32 s1, $0x2  }
0xb9: {  	s3 =	sand.u32 $0x4000, s31;
	s1 =	sadd.s32 s1, s30  }
0xba: {  	s0 =	sor.u32 s3, s0;
	s1 =	sshll.u32 s1, $0x11  }
0xbb: {  	s0 =	sor.u32 s1, s0  }
0xbc: {  	s0 =	sadd.s32 $0x8F2B, s0  }
0xbd: {  	[sflag:s0] =	ssyncadd.remote.s32 $0x1  }
0xbe: {  	_ =	sfence.sel $0xFFFF  }
0xbf: {  	[dreg:$0x0] =	wrdreg $0xFFFFFFFF;
	(pc) =	sbr.abs _section_cstart, $3  }
0xc0: {  	[dreg:$0x1] =	wrdreg $0xFFFFFFFF  }
0xc1: {  	_ =	task.clear_ibuf [dreg:s6], $0x2FFFF;
	_ =	strace $0x9FFFFFFF  }
0xc2: {  	(tm) =	ssettm $0x7FFFFFFF  }
0xc3: {  	_ =	shalt  }
tec
execute0_lowered:
.L_overlay_start_1:
0x0: {  	(tag) =	ssettag $0x1  }
0x1: {  	s0 =	rddreg [dreg:$0x0]  }
0x2: {  	s2 =	rddreg [dreg:$0x1]  }
0x3: {  	s1 =	srdreg.scid;
	s9 =	stileid.u32;
	s3 =	simm.s32 $0x0  }
0x4: {  	s16 =	simm.s32 $0x100;
	s18 =	simm.s32 $0x180;
	[smem:$0x7FF] =	sst s3  }
0x5: {  	s20 =	simm.s32 $0x200;
	_ =	strace $0x80000047;
	[dreg:$0x3] =	wrdreg s16  }
0x6: {  	s22 =	simm.s32 $0x280;
	s24 =	simm.s32 $0x300;
	[dreg:$0x4] =	wrdreg s18  }
0x7: {  	s25 =	simm.s32 $0x380;
	s10 =	simm.s32 $0x500;
	[dreg:$0x5] =	wrdreg s20  }
0x8: {  	s13 =	simm.s32 $0x580;
	s28 =	simm.s32 $0x4;
	[dreg:$0x6] =	wrdreg s22  }
0x9: {  	s29 =	simm.s32 $0xD00;
	s30 =	simm.s32 $0xD80;
	[dreg:$0x7] =	wrdreg s24  }
0xa: {  	s31 =	simm.s32 $0xE00;
	s1 =	sand.u32 $0x1, s1;
	[dreg:$0x8] =	wrdreg s25  }
0xb: {  	s4 =	smul.u32 $0x9600, s9;
	s6 =	sadd.s32 $0x800, s0;
	[dreg:$0xa] =	wrdreg s10  }
0xc: {  	s26 =	sshll.u32 s9, $0x7;
	[dreg:$0xb] =	wrdreg s13;
	s16 =	simm.s32 $0x680  }
0xd: {  	s5 =	smul.u32 $0x96000, s1;
	s18 =	simm.s32 $0x780;
	[dreg:$0xd] =	wrdreg s16  }
0xe: {  	s7 =	ssub.s32 $0x2, s1;
	s20 =	simm.s32 $0x900;
	[dreg:$0xf] =	wrdreg s18  }
0xf: {  	s1 =	sshll.u32 s1, $0xB;
	s22 =	simm.s32 $0xA00;
	[dreg:$0x11] =	wrdreg s20  }
0x10: {  	s24 =	simm.s32 $0xB00;
	s25 =	simm.s32 $0xB80;
	[dreg:$0x13] =	wrdreg s22  }
0x11: {  	s8 =	sshrl.u32 s7, $0x1;
	s12 =	sadd.s32 s4, s2;
	[dreg:$0x15] =	wrdreg s24  }
0x12: {  	s9 =	sor.u32 s26, s1;
	s1 =	sadd.s32 s1, s6;
	[dreg:$0x16] =	wrdreg s25  }
0x13: {  	s5 =	sadd.s32 s4, s5;
	s4 =	sadd.s32 $0x12C0, s12;
	[dreg:$0x18] =	wrdreg s12  }
0x14: {  	s18 =	simm.s32 $0x400;
	s14 =	sadd.s32 $0x2580, s12;
	[dreg:$0x19] =	wrdreg s4  }
0x15: {  	s20 =	simm.s32 $0x80;
	s15 =	sadd.s32 $0x3840, s12;
	[dreg:$0x1a] =	wrdreg s14  }
0x16: {  	s22 =	simm.s32 $0x800;
	s17 =	sadd.s32 $0x4B00, s12;
	[dreg:$0x1b] =	wrdreg s15  }
0x17: {  	s24 =	simm.s32 $0xC00;
	s19 =	sadd.s32 $0x5DC0, s12;
	[dreg:$0x1c] =	wrdreg s17  }
0x18: {  	s25 =	simm.s32 $0x3;
	s21 =	sadd.s32 $0x7080, s12;
	[dreg:$0x1d] =	wrdreg s19  }
0x19: {  	s8 =	ssub.s32 s7, s8;
	s23 =	sadd.s32 $0x8340, s12;
	[dreg:$0x1e] =	wrdreg s21  }
0x1a: {  	s11 =	sadd.s32 s6, s9;
	s6 =	simm.s32 $0x6;
	[dreg:$0x1f] =	wrdreg s23  }
0x1b: {  	s7 =	simm.s32 $0x7;
	s4 =	simm.s32 $0x480;
	[smem:$0x7FB] =	sst s11  }
0x1c: {  	s9 =	simm.s32 $0x0;
	s15 =	smax.u32 s8, $0x1;
	[dreg:$0x9] =	wrdreg s4  }
0x1d: {  	s5 =	sshrl.u32 s5, $0x3;
	s14 =	simm.s32 $0x600;
	[smem:$0x7FD] =	sst s15  }
0x1e: {  	s17 =	simm.s32 $0x700;
	s19 =	simm.s32 $0x880;
	[dreg:$0xc] =	wrdreg s14  }
0x1f: {  	s21 =	simm.s32 $0x980;
	s23 =	simm.s32 $0xA80;
	[dreg:$0xe] =	wrdreg s17  }
0x20: {  	s8 =	simm.s32 $0x8;
	s0 =	sadd.s32 s5, s0;
	[dreg:$0x10] =	wrdreg s19  }
0x21: {  	s15 =	sadd.s32 s26, s1;
	s17 =	simm.s32 $0x9;
	[dreg:$0x12] =	wrdreg s21  }
0x22: {  	s19 =	simm.s32 $0x1;
	s21 =	simm.s32 $0x1000;
	[dreg:$0x14] =	wrdreg s23  }
0x23: {  	s23 =	simm.s32 $0x2;
	s26 =	simm.s32 $0xC80;
	s1 =	simm.s32 $0xF00  }
0x24: {  	s5 =	simm.s32 $0xF80;
	s0 =	sadd.s32 $0x20800, s0;
	[dreg:$0x17] =	wrdreg s26  }
0x25: {  	v0 =	vimm.f32 $1.000000000e+00;
	v1 =	vimm.f32 $0.0e+00;
	s26 =	simm.s32 $0x5;
	[smem:$0x7FC] =	sst s0;
	s0 =	simm.s32 $0xE80  }
.LBB2_1:
0x26: {  	[tilespmem:$0x1000] =	vst v0  }
0x27: {  	[tilespmem:$0x1010] =	vst v0  }
0x28: {  	[tilespmem:$0x1020] =	vst v0  }
0x29: {  	[tilespmem:$0x1030] =	vst v0  }
0x2a: {  	[tilespmem:$0x1040] =	vst v0  }
0x2b: {  	[tilespmem:$0x1050] =	vst v0  }
0x2c: {  	[tilespmem:$0x1060] =	vst v0  }
0x2d: {  	[tilespmem:$0x1070] =	vst v0;
	s10 =	simm.s32 $0x40;
	s11 =	simm.s32 $0x0  }
.LBB2_2:
0x2e: {  	p0 =	sne.s32 s10, $0x4AC0;
	[tilespmem:s11+$0x1080] =	vst v1;
	s11 =	smov.u32 s10;
	s10 =	sadd.s32 $0x40, s10  }
.Ltmp0:
0x2f: {  	(pc) =	sbr.rel @p0 .LBB2_2-.Ltmp0, $2  }
0x30: {  	_ =	sdelay $0x2  }
0x31: {  	s11 =	sshra.s32 s11, $0x2  }
0x32: {  	[tilespmem:s11+$0x1080] =	vst v1;
	s10 =	simm.s32 $0x1080  }
0x33: {  	[spmem:s12] =	stream.linear.scatter [tilespmem:s10], [sflag:$0x9], $0x12C0, $0x38;
	[tilespmem:$0xB990] =	vst v63  }
0x34: {  	_ =	swait.ge [sflag:s17], $0x12C0  }
0x35: {  	[sflag:s17] =	ssyncset.done $0x0  }
0x36: {  	s4 =	rddreg [dreg:$0x19];
	[sflag:s17] =	ssyncadd.s32 $0xFFFFED40  }
0x37: {  	[spmem:s4] =	stream.linear.scatter [tilespmem:s10], [sflag:$0x9], $0x12C0, $0x38;
	[tilespmem:$0xB990] =	vst v63  }
0x38: {  	_ =	swait.ge [sflag:s17], $0x12C0  }
0x39: {  	[sflag:s17] =	ssyncset.done $0x0  }
0x3a: {  	s11 =	rddreg [dreg:$0x1a];
	[sflag:s17] =	ssyncadd.s32 $0xFFFFED40  }
0x3b: {  	[spmem:s11] =	stream.linear.scatter [tilespmem:s10], [sflag:$0x9], $0x12C0, $0x38;
	[tilespmem:$0xB990] =	vst v63  }
0x3c: {  	_ =	swait.ge [sflag:s17], $0x12C0  }
0x3d: {  	[sflag:s17] =	ssyncset.done $0x0  }
0x3e: {  	s12 =	rddreg [dreg:$0x1b];
	[sflag:s17] =	ssyncadd.s32 $0xFFFFED40  }
0x3f: {  	[spmem:s12] =	stream.linear.scatter [tilespmem:s10], [sflag:$0x9], $0x12C0, $0x38;
	[tilespmem:$0xB990] =	vst v63  }
0x40: {  	_ =	swait.ge [sflag:s17], $0x12C0  }
0x41: {  	[sflag:s17] =	ssyncset.done $0x0  }
0x42: {  	s13 =	rddreg [dreg:$0x1c];
	[sflag:s17] =	ssyncadd.s32 $0xFFFFED40  }
0x43: {  	[spmem:s13] =	stream.linear.scatter [tilespmem:s10], [sflag:$0x9], $0x12C0, $0x38;
	[tilespmem:$0xB990] =	vst v63  }
0x44: {  	_ =	swait.ge [sflag:s17], $0x12C0  }
0x45: {  	[sflag:s17] =	ssyncset.done $0x0  }
0x46: {  	s14 =	rddreg [dreg:$0x1d];
	[sflag:s17] =	ssyncadd.s32 $0xFFFFED40  }
0x47: {  	[spmem:s14] =	stream.linear.scatter [tilespmem:s10], [sflag:$0x9], $0x12C0, $0x38;
	[tilespmem:$0xB990] =	vst v63  }
0x48: {  	_ =	swait.ge [sflag:s17], $0x12C0  }
0x49: {  	[sflag:s17] =	ssyncset.done $0x0  }
0x4a: {  	s16 =	rddreg [dreg:$0x1e];
	[sflag:s17] =	ssyncadd.s32 $0xFFFFED40  }
0x4b: {  	[spmem:s16] =	stream.linear.scatter [tilespmem:s10], [sflag:$0x9], $0x12C0, $0x38;
	[tilespmem:$0xB990] =	vst v63  }
0x4c: {  	_ =	swait.ge [sflag:s17], $0x12C0  }
0x4d: {  	[sflag:s17] =	ssyncset.done $0x0  }
0x4e: {  	s11 =	rddreg [dreg:$0x1f];
	[sflag:s17] =	ssyncadd.s32 $0xFFFFED40  }
0x4f: {  	[spmem:s11] =	stream.linear.scatter [tilespmem:s10], [sflag:$0x9], $0x12C0, $0x38;
	[tilespmem:$0xB990] =	vst v63  }
0x50: {  	_ =	swait.ge [sflag:s17], $0x12C0  }
0x51: {  	[sflag:s17] =	ssyncset.done $0x0  }
0x52: {  	[sflag:s17] =	ssyncadd.s32 $0xFFFFED40  }
0x53: {  	[bflag:$0x0] =	sbarrier.arrive $0xFFFF  }
0x54: {  	p0 =	por $0x1, $0x1;
	s13 =	sld [smem:$0x7FB]  }
0x55: {  	p0 =	por p0, p0  }
0x56: {  	s12 =	simm.s32 $0x0;
	s11 =	simm.s32 @!p0 $0x6  }
0x57: {  	[tilespmem:s12], [sflag:$0x1] =	stream.linear.gather [hbm4b:s13+s12], $0x400, $0x38;
	[tilespmem:$0xB990] =	vst v63  }
0x58: {  	_ =	swait.ge @!p0 [sflag:s11], $0x80  }
0x59: {  	[sflag:s11] =	ssyncset.done @!p0 $0x0  }
0x5a: {  	[sflag:s11] =	ssyncadd.s32 @!p0 $0xFFFFFF80  }
0x5b: {  	_ =	swait.ge @!p0 [sflag:s11], $0x80  }
0x5c: {  	[sflag:s11] =	ssyncset.done @!p0 $0x0  }
0x5d: {  	[sflag:s11] =	ssyncadd.s32 @!p0 $0xFFFFFF80  }
0x5e: {  	_ =	swait.ge @!p0 [sflag:s11], $0x80  }
0x5f: {  	[sflag:s11] =	ssyncset.done @!p0 $0x0  }
0x60: {  	[sflag:s11] =	ssyncadd.s32 @!p0 $0xFFFFFF80  }
0x61: {  	_ =	swait.ge @!p0 [sflag:s11], $0x80  }
0x62: {  	[sflag:s11] =	ssyncset.done @!p0 $0x0  }
0x63: {  	[sflag:s11] =	ssyncadd.s32 @!p0 $0xFFFFFF80  }
0x64: {  	_ =	swait.ge @!p0 [sflag:s11], $0x80  }
0x65: {  	[sflag:s11] =	ssyncset.done @!p0 $0x0  }
0x66: {  	[sflag:s11] =	ssyncadd.s32 @!p0 $0xFFFFFF80  }
0x67: {  	_ =	swait.ge @!p0 [sflag:s11], $0x80  }
0x68: {  	[sflag:s11] =	ssyncset.done @!p0 $0x0  }
0x69: {  	[sflag:s11] =	ssyncadd.s32 @!p0 $0xFFFFFF80  }
0x6a: {  	_ =	swait.ge @!p0 [sflag:s11], $0x80  }
0x6b: {  	[sflag:s11] =	ssyncset.done @!p0 $0x0  }
0x6c: {  	[sflag:s11] =	ssyncadd.s32 @!p0 $0xFFFFFF80  }
0x6d: {  	_ =	swait.ge @!p0 [sflag:s11], $0x80  }
0x6e: {  	s10 =	sadd.s32 $0x0, s15;
	[sflag:s11] =	ssyncset.done @!p0 $0x0  }
0x6f: {  	s14 =	sadd.s32 $0x1000, s10;
	[sflag:s11] =	ssyncadd.s32 @!p0 $0xFFFFFF80  }
0x70: {  	[tilespmem:s18], [sflag:$0x2] =	stream.linear.gather [hbm4b:s14+s3], $0x400, $0x38;
	[tilespmem:$0xB990] =	vst v63  }
0x71: {  	_ =	swait.ge [sflag:s19], $0x400  }
0x72: {  	[sflag:s19] =	ssyncset.done $0x0  }
0x73: {  	[sflag:s19] =	ssyncadd.s32 $0xFFFFFC00  }
0x74: {  	[spmem:s2] =	stream.indirect.scatter [tilespmem:s21], [sflag:$0x5], $0x1, s3, s20, $0xb8;
	[tilespmem:$0xB990] =	vst v63  }
0x75: {  	_ = 	snop  }
0x76: {  	[spmem:s2] =	stream.indirect.scatter [tilespmem:s21], [sflag:$0x5], $0x1, s20, s20, $0xb8;
	[tilespmem:$0xB990] =	vst v63  }
0x77: {  	s16 =	rddreg [dreg:$0x3]  }
0x78: {  	[spmem:s2] =	stream.indirect.scatter [tilespmem:s21], [sflag:$0x5], $0x1, s16, s20, $0xb8;
	[tilespmem:$0xB990] =	vst v63  }
0x79: {  	s4 =	rddreg [dreg:$0x4]  }
0x7a: {  	[spmem:s2] =	stream.indirect.scatter [tilespmem:s21], [sflag:$0x5], $0x1, s4, s20, $0xb8;
	[tilespmem:$0xB990] =	vst v63  }
0x7b: {  	s13 =	rddreg [dreg:$0x5]  }
0x7c: {  	[spmem:s2] =	stream.indirect.scatter [tilespmem:s21], [sflag:$0x5], $0x1, s13, s20, $0xb8;
	[tilespmem:$0xB990] =	vst v63  }
0x7d: {  	s14 =	rddreg [dreg:$0x6]  }
0x7e: {  	[spmem:s2] =	stream.indirect.scatter [tilespmem:s21], [sflag:$0x5], $0x1, s14, s20, $0xb8;
	[tilespmem:$0xB990] =	vst v63  }
0x7f: {  	s16 =	rddreg [dreg:$0x7]  }
0x80: {  	[spmem:s2] =	stream.indirect.scatter [tilespmem:s21], [sflag:$0x5], $0x1, s16, s20, $0xb8;
	[tilespmem:$0xB990] =	vst v63  }
0x81: {  	s11 =	simm.s32 @!p0 $0x7;
	s4 =	rddreg [dreg:$0x8]  }
0x82: {  	[spmem:s2] =	stream.indirect.scatter [tilespmem:s21], [sflag:$0x5], $0x1, s4, s20, $0xb8;
	[tilespmem:$0xB990] =	vst v63  }
0x83: {  	_ =	swait.ge @!p0 [sflag:s11], $0x80  }
0x84: {  	[sflag:s11] =	ssyncset.done @!p0 $0x0  }
0x85: {  	[sflag:s11] =	ssyncadd.s32 @!p0 $0xFFFFFF80  }
0x86: {  	_ =	swait.ge @!p0 [sflag:s11], $0x80  }
0x87: {  	[sflag:s11] =	ssyncset.done @!p0 $0x0  }
0x88: {  	[sflag:s11] =	ssyncadd.s32 @!p0 $0xFFFFFF80  }
0x89: {  	_ =	swait.ge @!p0 [sflag:s11], $0x80  }
0x8a: {  	[sflag:s11] =	ssyncset.done @!p0 $0x0  }
0x8b: {  	[sflag:s11] =	ssyncadd.s32 @!p0 $0xFFFFFF80  }
0x8c: {  	_ =	swait.ge @!p0 [sflag:s11], $0x80  }
0x8d: {  	[sflag:s11] =	ssyncset.done @!p0 $0x0  }
0x8e: {  	[sflag:s11] =	ssyncadd.s32 @!p0 $0xFFFFFF80  }
0x8f: {  	_ =	swait.ge @!p0 [sflag:s11], $0x80  }
0x90: {  	[sflag:s11] =	ssyncset.done @!p0 $0x0  }
0x91: {  	[sflag:s11] =	ssyncadd.s32 @!p0 $0xFFFFFF80  }
0x92: {  	_ =	swait.ge @!p0 [sflag:s11], $0x80  }
0x93: {  	[sflag:s11] =	ssyncset.done @!p0 $0x0  }
0x94: {  	[sflag:s11] =	ssyncadd.s32 @!p0 $0xFFFFFF80  }
0x95: {  	_ =	swait.ge @!p0 [sflag:s11], $0x80  }
0x96: {  	[sflag:s11] =	ssyncset.done @!p0 $0x0  }
0x97: {  	[sflag:s11] =	ssyncadd.s32 @!p0 $0xFFFFFF80  }
0x98: {  	_ =	swait.ge @!p0 [sflag:s11], $0x80  }
0x99: {  	[sflag:s11] =	ssyncset.done @!p0 $0x0  }
0x9a: {  	s13 =	sadd.s32 $0x2000, s10;
	[sflag:s11] =	ssyncadd.s32 @!p0 $0xFFFFFF80  }
0x9b: {  	[tilespmem:s22], [sflag:$0x3] =	stream.linear.gather [hbm4b:s13+s3], $0x400, $0x38;
	[tilespmem:$0xB990] =	vst v63  }
0x9c: {  	_ =	swait.ge [sflag:s23], $0x400  }
0x9d: {  	[sflag:s23] =	ssyncset.done $0x0  }
0x9e: {  	[sflag:s23] =	ssyncadd.s32 $0xFFFFFC00  }
0x9f: {  	[spmem:s2] =	stream.indirect.scatter [tilespmem:s21], [sflag:$0x6], $0x1, s18, s20, $0xb8;
	[tilespmem:$0xB990] =	vst v63  }
0xa0: {  	s14 =	rddreg [dreg:$0x9]  }
0xa1: {  	[spmem:s2] =	stream.indirect.scatter [tilespmem:s21], [sflag:$0x6], $0x1, s14, s20, $0xb8;
	[tilespmem:$0xB990] =	vst v63  }
0xa2: {  	s16 =	rddreg [dreg:$0xa]  }
0xa3: {  	[spmem:s2] =	stream.indirect.scatter [tilespmem:s21], [sflag:$0x6], $0x1, s16, s20, $0xb8;
	[tilespmem:$0xB990] =	vst v63  }
0xa4: {  	s4 =	rddreg [dreg:$0xb]  }
0xa5: {  	[spmem:s2] =	stream.indirect.scatter [tilespmem:s21], [sflag:$0x6], $0x1, s4, s20, $0xb8;
	[tilespmem:$0xB990] =	vst v63  }
0xa6: {  	s13 =	rddreg [dreg:$0xc]  }
0xa7: {  	[spmem:s2] =	stream.indirect.scatter [tilespmem:s21], [sflag:$0x6], $0x1, s13, s20, $0xb8;
	[tilespmem:$0xB990] =	vst v63  }
0xa8: {  	s14 =	rddreg [dreg:$0xd]  }
0xa9: {  	[spmem:s2] =	stream.indirect.scatter [tilespmem:s21], [sflag:$0x6], $0x1, s14, s20, $0xb8;
	[tilespmem:$0xB990] =	vst v63  }
0xaa: {  	s16 =	rddreg [dreg:$0xe]  }
0xab: {  	[spmem:s2] =	stream.indirect.scatter [tilespmem:s21], [sflag:$0x6], $0x1, s16, s20, $0xb8;
	[tilespmem:$0xB990] =	vst v63  }
0xac: {  	s12 =	simm.s32 @!p0 $0x8;
	s4 =	rddreg [dreg:$0xf]  }
0xad: {  	[spmem:s2] =	stream.indirect.scatter [tilespmem:s21], [sflag:$0x6], $0x1, s4, s20, $0xb8;
	[tilespmem:$0xB990] =	vst v63  }
0xae: {  	_ =	swait.ge @!p0 [sflag:s12], $0x80  }
0xaf: {  	[sflag:s12] =	ssyncset.done @!p0 $0x0  }
0xb0: {  	[sflag:s12] =	ssyncadd.s32 @!p0 $0xFFFFFF80  }
0xb1: {  	_ =	swait.ge @!p0 [sflag:s12], $0x80  }
0xb2: {  	[sflag:s12] =	ssyncset.done @!p0 $0x0  }
0xb3: {  	[sflag:s12] =	ssyncadd.s32 @!p0 $0xFFFFFF80  }
0xb4: {  	_ =	swait.ge @!p0 [sflag:s12], $0x80  }
0xb5: {  	[sflag:s12] =	ssyncset.done @!p0 $0x0  }
0xb6: {  	[sflag:s12] =	ssyncadd.s32 @!p0 $0xFFFFFF80  }
0xb7: {  	_ =	swait.ge @!p0 [sflag:s12], $0x80  }
0xb8: {  	[sflag:s12] =	ssyncset.done @!p0 $0x0  }
0xb9: {  	[sflag:s12] =	ssyncadd.s32 @!p0 $0xFFFFFF80  }
0xba: {  	_ =	swait.ge @!p0 [sflag:s12], $0x80  }
0xbb: {  	[sflag:s12] =	ssyncset.done @!p0 $0x0  }
0xbc: {  	[sflag:s12] =	ssyncadd.s32 @!p0 $0xFFFFFF80  }
0xbd: {  	_ =	swait.ge @!p0 [sflag:s12], $0x80  }
0xbe: {  	[sflag:s12] =	ssyncset.done @!p0 $0x0  }
0xbf: {  	[sflag:s12] =	ssyncadd.s32 @!p0 $0xFFFFFF80  }
0xc0: {  	_ =	swait.ge @!p0 [sflag:s12], $0x80  }
0xc1: {  	[sflag:s12] =	ssyncset.done @!p0 $0x0  }
0xc2: {  	[sflag:s12] =	ssyncadd.s32 @!p0 $0xFFFFFF80  }
0xc3: {  	_ =	swait.ge @!p0 [sflag:s12], $0x80  }
0xc4: {  	[sflag:s12] =	ssyncset.done @!p0 $0x0  }
0xc5: {  	s10 =	sadd.s32 $0x3000, s10;
	[sflag:s12] =	ssyncadd.s32 @!p0 $0xFFFFFF80  }
0xc6: {  	[tilespmem:s24], [sflag:$0x4] =	stream.linear.gather [hbm4b:s10+s3], $0x400, $0x38;
	[tilespmem:$0xB990] =	vst v63  }
0xc7: {  	_ =	swait.ge [sflag:s25], $0x400  }
0xc8: {  	[sflag:s25] =	ssyncset.done $0x0  }
0xc9: {  	[sflag:s25] =	ssyncadd.s32 $0xFFFFFC00  }
0xca: {  	[spmem:s2] =	stream.indirect.scatter [tilespmem:s21], [sflag:$0x7], $0x1, s22, s20, $0xb8;
	[tilespmem:$0xB990] =	vst v63  }
0xcb: {  	s13 =	rddreg [dreg:$0x10]  }
0xcc: {  	[spmem:s2] =	stream.indirect.scatter [tilespmem:s21], [sflag:$0x7], $0x1, s13, s20, $0xb8;
	[tilespmem:$0xB990] =	vst v63  }
0xcd: {  	s14 =	rddreg [dreg:$0x11]  }
0xce: {  	[spmem:s2] =	stream.indirect.scatter [tilespmem:s21], [sflag:$0x7], $0x1, s14, s20, $0xb8;
	[tilespmem:$0xB990] =	vst v63  }
0xcf: {  	s16 =	rddreg [dreg:$0x12]  }
0xd0: {  	[spmem:s2] =	stream.indirect.scatter [tilespmem:s21], [sflag:$0x7], $0x1, s16, s20, $0xb8;
	[tilespmem:$0xB990] =	vst v63  }
0xd1: {  	s4 =	rddreg [dreg:$0x13]  }
0xd2: {  	[spmem:s2] =	stream.indirect.scatter [tilespmem:s21], [sflag:$0x7], $0x1, s4, s20, $0xb8;
	[tilespmem:$0xB990] =	vst v63  }
0xd3: {  	s12 =	rddreg [dreg:$0x14]  }
0xd4: {  	[spmem:s2] =	stream.indirect.scatter [tilespmem:s21], [sflag:$0x7], $0x1, s12, s20, $0xb8;
	[tilespmem:$0xB990] =	vst v63  }
0xd5: {  	s13 =	rddreg [dreg:$0x15]  }
0xd6: {  	[spmem:s2] =	stream.indirect.scatter [tilespmem:s21], [sflag:$0x7], $0x1, s13, s20, $0xb8;
	[tilespmem:$0xB990] =	vst v63  }
0xd7: {  	s14 =	rddreg [dreg:$0x16]  }
0xd8: {  	[spmem:s2] =	stream.indirect.scatter [tilespmem:s21], [sflag:$0x7], $0x1, s14, s20, $0xb8;
	[tilespmem:$0xB990] =	vst v63  }
0xd9: {  	_ =	swait.ge [sflag:s26], $0x80  }
0xda: {  	[sflag:s26] =	ssyncset.done $0x0  }
0xdb: {  	[sflag:s26] =	ssyncadd.s32 $0xFFFFFF80  }
0xdc: {  	_ =	swait.ge [sflag:s26], $0x80  }
0xdd: {  	[sflag:s26] =	ssyncset.done $0x0  }
0xde: {  	[sflag:s26] =	ssyncadd.s32 $0xFFFFFF80  }
0xdf: {  	_ =	swait.ge [sflag:s26], $0x80  }
0xe0: {  	[sflag:s26] =	ssyncset.done $0x0  }
0xe1: {  	[sflag:s26] =	ssyncadd.s32 $0xFFFFFF80  }
0xe2: {  	_ =	swait.ge [sflag:s26], $0x80  }
0xe3: {  	[sflag:s26] =	ssyncset.done $0x0  }
0xe4: {  	[sflag:s26] =	ssyncadd.s32 $0xFFFFFF80  }
0xe5: {  	_ =	swait.ge [sflag:s26], $0x80  }
0xe6: {  	[sflag:s26] =	ssyncset.done $0x0  }
0xe7: {  	[sflag:s26] =	ssyncadd.s32 $0xFFFFFF80  }
0xe8: {  	_ =	swait.ge [sflag:s26], $0x80  }
0xe9: {  	[sflag:s26] =	ssyncset.done $0x0  }
0xea: {  	[sflag:s26] =	ssyncadd.s32 $0xFFFFFF80  }
0xeb: {  	_ =	swait.ge [sflag:s26], $0x80  }
0xec: {  	[sflag:s26] =	ssyncset.done $0x0  }
0xed: {  	[sflag:s26] =	ssyncadd.s32 $0xFFFFFF80  }
0xee: {  	p0 =	por $0x0, $0x0;
	_ =	swait.ge [sflag:s26], $0x80  }
0xef: {  	s10 =	sadd.s32 @!p0 $0x0, s15;
	[sflag:s26] =	ssyncset.done $0x0  }
0xf0: {  	s11 =	simm.s32 @!p0 $0x0;
	s10 =	sadd.s32 @!p0 $0x4000, s10;
	[sflag:s26] =	ssyncadd.s32 $0xFFFFFF80  }
0xf1: {  	[tilespmem:s11], [sflag:$0x1] =	stream.linear.gather @!p0 [hbm4b:s10+s11], $0x400, $0x38;
	[tilespmem:$0xB990] =	vst v63  }
0xf2: {  	_ =	swait.ge [sflag:s28], $0x400  }
0xf3: {  	[sflag:s28] =	ssyncset.done $0x0  }
0xf4: {  	[sflag:s28] =	ssyncadd.s32 $0xFFFFFC00  }
0xf5: {  	[spmem:s2] =	stream.indirect.scatter [tilespmem:s21], [sflag:$0x8], $0x1, s24, s20, $0xb8;
	[tilespmem:$0xB990] =	vst v63  }
0xf6: {  	s16 =	rddreg [dreg:$0x17]  }
0xf7: {  	[spmem:s2] =	stream.indirect.scatter [tilespmem:s21], [sflag:$0x8], $0x1, s16, s20, $0xb8;
	[tilespmem:$0xB990] =	vst v63  }
0xf8: {  	_ = 	snop  }
0xf9: {  	[spmem:s2] =	stream.indirect.scatter [tilespmem:s21], [sflag:$0x8], $0x1, s29, s20, $0xb8;
	[tilespmem:$0xB990] =	vst v63  }
0xfa: {  	_ = 	snop  }
0xfb: {  	[spmem:s2] =	stream.indirect.scatter [tilespmem:s21], [sflag:$0x8], $0x1, s30, s20, $0xb8;
	[tilespmem:$0xB990] =	vst v63  }
0xfc: {  	_ = 	snop  }
0xfd: {  	[spmem:s2] =	stream.indirect.scatter [tilespmem:s21], [sflag:$0x8], $0x1, s31, s20, $0xb8;
	[tilespmem:$0xB990] =	vst v63  }
0xfe: {  	p6 =	por $0x0, $0x0;
	s12 =	simm.s32 $0x8000  }
0xff: {  	[spmem:s2] =	stream.indirect.scatter [tilespmem:s21], [sflag:$0x8], $0x1, s0, s20, $0xb8;
	[tilespmem:$0xB990] =	vst v63  }
0x100: {  	s10 =	simm.s32 $0x4000;
	p0 =	por p6, p6;
	s11 =	simm.s32 $0x1  }
0x101: {  	[spmem:s2] =	stream.indirect.scatter [tilespmem:s21], [sflag:$0x8], $0x1, s1, s20, $0xb8;
	[tilespmem:$0xB990] =	vst v63  }
.LBB2_4:
0x102: {  	[spmem:s2] =	stream.indirect.scatter [tilespmem:s21], [sflag:$0x8], $0x1, s5, s20, $0xb8;
	[tilespmem:$0xB990] =	vst v63  }
0x103: {  	s4 =	simm.s32 @!p0 $0x6  }
0x104: {  	_ =	swait.ge @!p0 [sflag:s4], $0x80  }
0x105: {  	[sflag:s4] =	ssyncset.done @!p0 $0x0  }
0x106: {  	[sflag:s4] =	ssyncadd.s32 @!p0 $0xFFFFFF80  }
0x107: {  	_ =	swait.ge @!p0 [sflag:s4], $0x80  }
0x108: {  	[sflag:s4] =	ssyncset.done @!p0 $0x0  }
0x109: {  	[sflag:s4] =	ssyncadd.s32 @!p0 $0xFFFFFF80  }
0x10a: {  	_ =	swait.ge @!p0 [sflag:s4], $0x80  }
0x10b: {  	[sflag:s4] =	ssyncset.done @!p0 $0x0  }
0x10c: {  	[sflag:s4] =	ssyncadd.s32 @!p0 $0xFFFFFF80  }
0x10d: {  	_ =	swait.ge @!p0 [sflag:s4], $0x80  }
0x10e: {  	[sflag:s4] =	ssyncset.done @!p0 $0x0  }
0x10f: {  	[sflag:s4] =	ssyncadd.s32 @!p0 $0xFFFFFF80  }
0x110: {  	_ =	swait.ge @!p0 [sflag:s4], $0x80  }
0x111: {  	[sflag:s4] =	ssyncset.done @!p0 $0x0  }
0x112: {  	[sflag:s4] =	ssyncadd.s32 @!p0 $0xFFFFFF80  }
0x113: {  	_ =	swait.ge @!p0 [sflag:s4], $0x80  }
0x114: {  	[sflag:s4] =	ssyncset.done @!p0 $0x0  }
0x115: {  	[sflag:s4] =	ssyncadd.s32 @!p0 $0xFFFFFF80  }
0x116: {  	_ =	swait.ge @!p0 [sflag:s4], $0x80  }
0x117: {  	[sflag:s4] =	ssyncset.done @!p0 $0x0  }
0x118: {  	[sflag:s4] =	ssyncadd.s32 @!p0 $0xFFFFFF80  }
0x119: {  	_ =	swait.ge @!p0 [sflag:s4], $0x80  }
0x11a: {  	s14 =	sadd.s32 s10, s15;
	[sflag:s4] =	ssyncset.done @!p0 $0x0  }
0x11b: {  	s16 =	sadd.s32 $0x1000, s14;
	[sflag:s4] =	ssyncadd.s32 @!p0 $0xFFFFFF80  }
0x11c: {  	[tilespmem:s18], [sflag:$0x2] =	stream.linear.gather [hbm4b:s16+s3], $0x400, $0x38;
	[tilespmem:$0xB990] =	vst v63  }
0x11d: {  	_ =	swait.ge [sflag:s19], $0x400  }
0x11e: {  	[sflag:s19] =	ssyncset.done $0x0  }
0x11f: {  	[sflag:s19] =	ssyncadd.s32 $0xFFFFFC00  }
0x120: {  	[spmem:s2] =	stream.indirect.scatter [tilespmem:s21], [sflag:$0x5], $0x1, s3, s20, $0xb8;
	[tilespmem:$0xB990] =	vst v63  }
0x121: {  	_ = 	snop  }
0x122: {  	[spmem:s2] =	stream.indirect.scatter [tilespmem:s21], [sflag:$0x5], $0x1, s20, s20, $0xb8;
	[tilespmem:$0xB990] =	vst v63  }
0x123: {  	s4 =	rddreg [dreg:$0x3]  }
0x124: {  	[spmem:s2] =	stream.indirect.scatter [tilespmem:s21], [sflag:$0x5], $0x1, s4, s20, $0xb8;
	[tilespmem:$0xB990] =	vst v63  }
0x125: {  	s16 =	rddreg [dreg:$0x4]  }
0x126: {  	[spmem:s2] =	stream.indirect.scatter [tilespmem:s21], [sflag:$0x5], $0x1, s16, s20, $0xb8;
	[tilespmem:$0xB990] =	vst v63  }
0x127: {  	s4 =	rddreg [dreg:$0x5]  }
0x128: {  	[spmem:s2] =	stream.indirect.scatter [tilespmem:s21], [sflag:$0x5], $0x1, s4, s20, $0xb8;
	[tilespmem:$0xB990] =	vst v63  }
0x129: {  	s16 =	rddreg [dreg:$0x6]  }
0x12a: {  	[spmem:s2] =	stream.indirect.scatter [tilespmem:s21], [sflag:$0x5], $0x1, s16, s20, $0xb8;
	[tilespmem:$0xB990] =	vst v63  }
0x12b: {  	s4 =	rddreg [dreg:$0x7]  }
0x12c: {  	[spmem:s2] =	stream.indirect.scatter [tilespmem:s21], [sflag:$0x5], $0x1, s4, s20, $0xb8;
	[tilespmem:$0xB990] =	vst v63  }
0x12d: {  	s16 =	rddreg [dreg:$0x8];
	s4 =	simm.s32 @!p0 $0x7  }
0x12e: {  	[spmem:s2] =	stream.indirect.scatter [tilespmem:s21], [sflag:$0x5], $0x1, s16, s20, $0xb8;
	[tilespmem:$0xB990] =	vst v63  }
0x12f: {  	_ =	swait.ge @!p0 [sflag:s4], $0x80  }
0x130: {  	[sflag:s4] =	ssyncset.done @!p0 $0x0  }
0x131: {  	[sflag:s4] =	ssyncadd.s32 @!p0 $0xFFFFFF80  }
0x132: {  	_ =	swait.ge @!p0 [sflag:s4], $0x80  }
0x133: {  	[sflag:s4] =	ssyncset.done @!p0 $0x0  }
0x134: {  	[sflag:s4] =	ssyncadd.s32 @!p0 $0xFFFFFF80  }
0x135: {  	_ =	swait.ge @!p0 [sflag:s4], $0x80  }
0x136: {  	[sflag:s4] =	ssyncset.done @!p0 $0x0  }
0x137: {  	[sflag:s4] =	ssyncadd.s32 @!p0 $0xFFFFFF80  }
0x138: {  	_ =	swait.ge @!p0 [sflag:s4], $0x80  }
0x139: {  	[sflag:s4] =	ssyncset.done @!p0 $0x0  }
0x13a: {  	[sflag:s4] =	ssyncadd.s32 @!p0 $0xFFFFFF80  }
0x13b: {  	_ =	swait.ge @!p0 [sflag:s4], $0x80  }
0x13c: {  	[sflag:s4] =	ssyncset.done @!p0 $0x0  }
0x13d: {  	[sflag:s4] =	ssyncadd.s32 @!p0 $0xFFFFFF80  }
0x13e: {  	_ =	swait.ge @!p0 [sflag:s4], $0x80  }
0x13f: {  	[sflag:s4] =	ssyncset.done @!p0 $0x0  }
0x140: {  	[sflag:s4] =	ssyncadd.s32 @!p0 $0xFFFFFF80  }
0x141: {  	_ =	swait.ge @!p0 [sflag:s4], $0x80  }
0x142: {  	[sflag:s4] =	ssyncset.done @!p0 $0x0  }
0x143: {  	[sflag:s4] =	ssyncadd.s32 @!p0 $0xFFFFFF80  }
0x144: {  	_ =	swait.ge @!p0 [sflag:s4], $0x80  }
0x145: {  	[sflag:s4] =	ssyncset.done @!p0 $0x0  }
0x146: {  	s16 =	sadd.s32 $0x2000, s14;
	[sflag:s4] =	ssyncadd.s32 @!p0 $0xFFFFFF80  }
0x147: {  	[tilespmem:s22], [sflag:$0x3] =	stream.linear.gather [hbm4b:s16+s3], $0x400, $0x38;
	[tilespmem:$0xB990] =	vst v63  }
0x148: {  	_ =	swait.ge [sflag:s23], $0x400  }
0x149: {  	[sflag:s23] =	ssyncset.done $0x0  }
0x14a: {  	[sflag:s23] =	ssyncadd.s32 $0xFFFFFC00  }
0x14b: {  	[spmem:s2] =	stream.indirect.scatter [tilespmem:s21], [sflag:$0x6], $0x1, s18, s20, $0xb8;
	[tilespmem:$0xB990] =	vst v63  }
0x14c: {  	s4 =	rddreg [dreg:$0x9]  }
0x14d: {  	[spmem:s2] =	stream.indirect.scatter [tilespmem:s21], [sflag:$0x6], $0x1, s4, s20, $0xb8;
	[tilespmem:$0xB990] =	vst v63  }
0x14e: {  	s16 =	rddreg [dreg:$0xa]  }
0x14f: {  	[spmem:s2] =	stream.indirect.scatter [tilespmem:s21], [sflag:$0x6], $0x1, s16, s20, $0xb8;
	[tilespmem:$0xB990] =	vst v63  }
0x150: {  	s4 =	rddreg [dreg:$0xb]  }
0x151: {  	[spmem:s2] =	stream.indirect.scatter [tilespmem:s21], [sflag:$0x6], $0x1, s4, s20, $0xb8;
	[tilespmem:$0xB990] =	vst v63  }
0x152: {  	s16 =	rddreg [dreg:$0xc]  }
0x153: {  	[spmem:s2] =	stream.indirect.scatter [tilespmem:s21], [sflag:$0x6], $0x1, s16, s20, $0xb8;
	[tilespmem:$0xB990] =	vst v63  }
0x154: {  	s4 =	rddreg [dreg:$0xd]  }
0x155: {  	[spmem:s2] =	stream.indirect.scatter [tilespmem:s21], [sflag:$0x6], $0x1, s4, s20, $0xb8;
	[tilespmem:$0xB990] =	vst v63  }
0x156: {  	s16 =	rddreg [dreg:$0xe]  }
0x157: {  	[spmem:s2] =	stream.indirect.scatter [tilespmem:s21], [sflag:$0x6], $0x1, s16, s20, $0xb8;
	[tilespmem:$0xB990] =	vst v63  }
0x158: {  	s4 =	rddreg [dreg:$0xf];
	s16 =	simm.s32 @!p0 $0x8  }
0x159: {  	[spmem:s2] =	stream.indirect.scatter [tilespmem:s21], [sflag:$0x6], $0x1, s4, s20, $0xb8;
	[tilespmem:$0xB990] =	vst v63  }
0x15a: {  	_ =	swait.ge @!p0 [sflag:s16], $0x80  }
0x15b: {  	[sflag:s16] =	ssyncset.done @!p0 $0x0  }
0x15c: {  	[sflag:s16] =	ssyncadd.s32 @!p0 $0xFFFFFF80  }
0x15d: {  	_ =	swait.ge @!p0 [sflag:s16], $0x80  }
0x15e: {  	[sflag:s16] =	ssyncset.done @!p0 $0x0  }
0x15f: {  	[sflag:s16] =	ssyncadd.s32 @!p0 $0xFFFFFF80  }
0x160: {  	_ =	swait.ge @!p0 [sflag:s16], $0x80  }
0x161: {  	[sflag:s16] =	ssyncset.done @!p0 $0x0  }
0x162: {  	[sflag:s16] =	ssyncadd.s32 @!p0 $0xFFFFFF80  }
0x163: {  	_ =	swait.ge @!p0 [sflag:s16], $0x80  }
0x164: {  	[sflag:s16] =	ssyncset.done @!p0 $0x0  }
0x165: {  	[sflag:s16] =	ssyncadd.s32 @!p0 $0xFFFFFF80  }
0x166: {  	_ =	swait.ge @!p0 [sflag:s16], $0x80  }
0x167: {  	[sflag:s16] =	ssyncset.done @!p0 $0x0  }
0x168: {  	[sflag:s16] =	ssyncadd.s32 @!p0 $0xFFFFFF80  }
0x169: {  	_ =	swait.ge @!p0 [sflag:s16], $0x80  }
0x16a: {  	[sflag:s16] =	ssyncset.done @!p0 $0x0  }
0x16b: {  	[sflag:s16] =	ssyncadd.s32 @!p0 $0xFFFFFF80  }
0x16c: {  	_ =	swait.ge @!p0 [sflag:s16], $0x80  }
0x16d: {  	[sflag:s16] =	ssyncset.done @!p0 $0x0  }
0x16e: {  	[sflag:s16] =	ssyncadd.s32 @!p0 $0xFFFFFF80  }
0x16f: {  	_ =	swait.ge @!p0 [sflag:s16], $0x80  }
0x170: {  	[sflag:s16] =	ssyncset.done @!p0 $0x0  }
0x171: {  	s14 =	sadd.s32 $0x3000, s14;
	[sflag:s16] =	ssyncadd.s32 @!p0 $0xFFFFFF80  }
0x172: {  	[tilespmem:s24], [sflag:$0x4] =	stream.linear.gather [hbm4b:s14+s3], $0x400, $0x38;
	[tilespmem:$0xB990] =	vst v63  }
0x173: {  	_ =	swait.ge [sflag:s25], $0x400  }
0x174: {  	[sflag:s25] =	ssyncset.done $0x0  }
0x175: {  	[sflag:s25] =	ssyncadd.s32 $0xFFFFFC00  }
0x176: {  	[spmem:s2] =	stream.indirect.scatter [tilespmem:s21], [sflag:$0x7], $0x1, s22, s20, $0xb8;
	[tilespmem:$0xB990] =	vst v63  }
0x177: {  	s16 =	rddreg [dreg:$0x10]  }
0x178: {  	[spmem:s2] =	stream.indirect.scatter [tilespmem:s21], [sflag:$0x7], $0x1, s16, s20, $0xb8;
	[tilespmem:$0xB990] =	vst v63  }
0x179: {  	s14 =	rddreg [dreg:$0x11]  }
0x17a: {  	[spmem:s2] =	stream.indirect.scatter [tilespmem:s21], [sflag:$0x7], $0x1, s14, s20, $0xb8;
	[tilespmem:$0xB990] =	vst v63  }
0x17b: {  	s16 =	rddreg [dreg:$0x12]  }
0x17c: {  	[spmem:s2] =	stream.indirect.scatter [tilespmem:s21], [sflag:$0x7], $0x1, s16, s20, $0xb8;
	[tilespmem:$0xB990] =	vst v63  }
0x17d: {  	s14 =	rddreg [dreg:$0x13]  }
0x17e: {  	[spmem:s2] =	stream.indirect.scatter [tilespmem:s21], [sflag:$0x7], $0x1, s14, s20, $0xb8;
	[tilespmem:$0xB990] =	vst v63  }
0x17f: {  	s16 =	rddreg [dreg:$0x14]  }
0x180: {  	[spmem:s2] =	stream.indirect.scatter [tilespmem:s21], [sflag:$0x7], $0x1, s16, s20, $0xb8;
	[tilespmem:$0xB990] =	vst v63  }
0x181: {  	s14 =	rddreg [dreg:$0x15]  }
0x182: {  	[spmem:s2] =	stream.indirect.scatter [tilespmem:s21], [sflag:$0x7], $0x1, s14, s20, $0xb8;
	[tilespmem:$0xB990] =	vst v63  }
0x183: {  	s16 =	rddreg [dreg:$0x16]  }
0x184: {  	[spmem:s2] =	stream.indirect.scatter [tilespmem:s21], [sflag:$0x7], $0x1, s16, s20, $0xb8;
	[tilespmem:$0xB990] =	vst v63  }
0x185: {  	_ =	swait.ge [sflag:s26], $0x80  }
0x186: {  	[sflag:s26] =	ssyncset.done $0x0  }
0x187: {  	[sflag:s26] =	ssyncadd.s32 $0xFFFFFF80  }
0x188: {  	_ =	swait.ge [sflag:s26], $0x80  }
0x189: {  	[sflag:s26] =	ssyncset.done $0x0  }
0x18a: {  	[sflag:s26] =	ssyncadd.s32 $0xFFFFFF80  }
0x18b: {  	_ =	swait.ge [sflag:s26], $0x80  }
0x18c: {  	[sflag:s26] =	ssyncset.done $0x0  }
0x18d: {  	[sflag:s26] =	ssyncadd.s32 $0xFFFFFF80  }
0x18e: {  	_ =	swait.ge [sflag:s26], $0x80  }
0x18f: {  	[sflag:s26] =	ssyncset.done $0x0  }
0x190: {  	[sflag:s26] =	ssyncadd.s32 $0xFFFFFF80  }
0x191: {  	_ =	swait.ge [sflag:s26], $0x80  }
0x192: {  	[sflag:s26] =	ssyncset.done $0x0  }
0x193: {  	[sflag:s26] =	ssyncadd.s32 $0xFFFFFF80  }
0x194: {  	_ =	swait.ge [sflag:s26], $0x80  }
0x195: {  	[sflag:s26] =	ssyncset.done $0x0  }
0x196: {  	[sflag:s26] =	ssyncadd.s32 $0xFFFFFF80  }
0x197: {  	_ =	swait.ge [sflag:s26], $0x80  }
0x198: {  	s13 =	smov.u32 s12;
	[sflag:s26] =	ssyncset.done $0x0  }
0x199: {  	p2 =	seq.s32 s13, $0x0;
	[sflag:s26] =	ssyncadd.s32 $0xFFFFFF80  }
0x19a: {  	p0 =	por p2, p2;
	p2 =	sgt.u32 s11, $0x6;
	_ =	swait.ge [sflag:s26], $0x80  }
0x19b: {  	s4 =	sadd.s32 @!p2 s10, s15;
	s10 =	smov.u32 s13;
	[sflag:s26] =	ssyncset.done $0x0  }
0x19c: {  	s13 =	simm.s32 @!p2 $0x0;
	s4 =	sadd.s32 @!p2 $0x4000, s4;
	[sflag:s26] =	ssyncadd.s32 $0xFFFFFF80  }
0x19d: {  	[tilespmem:s13], [sflag:$0x1] =	stream.linear.gather @!p2 [hbm4b:s4+s13], $0x400, $0x38;
	[tilespmem:$0xB990] =	vst v63  }
0x19e: {  	_ =	swait.ge [sflag:s28], $0x400  }
0x19f: {  	[sflag:s28] =	ssyncset.done $0x0  }
0x1a0: {  	[sflag:s28] =	ssyncadd.s32 $0xFFFFFC00  }
0x1a1: {  	[spmem:s2] =	stream.indirect.scatter [tilespmem:s21], [sflag:$0x8], $0x1, s24, s20, $0xb8;
	[tilespmem:$0xB990] =	vst v63  }
0x1a2: {  	s16 =	rddreg [dreg:$0x17]  }
0x1a3: {  	[spmem:s2] =	stream.indirect.scatter [tilespmem:s21], [sflag:$0x8], $0x1, s16, s20, $0xb8;
	[tilespmem:$0xB990] =	vst v63  }
0x1a4: {  	_ = 	snop  }
0x1a5: {  	[spmem:s2] =	stream.indirect.scatter [tilespmem:s21], [sflag:$0x8], $0x1, s29, s20, $0xb8;
	[tilespmem:$0xB990] =	vst v63  }
0x1a6: {  	s12 =	sadd.s32 $0x4000, s12  }
0x1a7: {  	[spmem:s2] =	stream.indirect.scatter [tilespmem:s21], [sflag:$0x8], $0x1, s30, s20, $0xb8;
	[tilespmem:$0xB990] =	vst v63  }
0x1a8: {  	p1 =	sne.s32 s12, $0x20000  }
0x1a9: {  	[spmem:s2] =	stream.indirect.scatter [tilespmem:s21], [sflag:$0x8], $0x1, s31, s20, $0xb8;
	[tilespmem:$0xB990] =	vst v63  }
.Ltmp1:
0x1aa: {  	_ = 	snop;
	(pc) =	sbr.rel @p1 .LBB2_4-.Ltmp1, $4  }
0x1ab: {  	_ = 	snop  }
0x1ac: {  	[spmem:s2] =	stream.indirect.scatter [tilespmem:s21], [sflag:$0x8], $0x1, s0, s20, $0xb8;
	[tilespmem:$0xB990] =	vst v63  }
0x1ad: {  	s11 =	sadd.s32 $0x1, s11  }
0x1ae: {  	[spmem:s2] =	stream.indirect.scatter [tilespmem:s21], [sflag:$0x8], $0x1, s1, s20, $0xb8;
	[tilespmem:$0xB990] =	vst v63  }
0x1af: {  	[spmem:s2] =	stream.indirect.scatter [tilespmem:s21], [sflag:$0x8], $0x1, s5, s20, $0xb8;
	[tilespmem:$0xB990] =	vst v63  }
0x1b0: {  	s4 =	simm.s32 @!p0 $0x6  }
0x1b1: {  	_ =	swait.ge @!p0 [sflag:s4], $0x80  }
0x1b2: {  	[sflag:s4] =	ssyncset.done @!p0 $0x0  }
0x1b3: {  	[sflag:s4] =	ssyncadd.s32 @!p0 $0xFFFFFF80  }
0x1b4: {  	_ =	swait.ge @!p0 [sflag:s4], $0x80  }
0x1b5: {  	[sflag:s4] =	ssyncset.done @!p0 $0x0  }
0x1b6: {  	[sflag:s4] =	ssyncadd.s32 @!p0 $0xFFFFFF80  }
0x1b7: {  	_ =	swait.ge @!p0 [sflag:s4], $0x80  }
0x1b8: {  	[sflag:s4] =	ssyncset.done @!p0 $0x0  }
0x1b9: {  	[sflag:s4] =	ssyncadd.s32 @!p0 $0xFFFFFF80  }
0x1ba: {  	_ =	swait.ge @!p0 [sflag:s4], $0x80  }
0x1bb: {  	[sflag:s4] =	ssyncset.done @!p0 $0x0  }
0x1bc: {  	[sflag:s4] =	ssyncadd.s32 @!p0 $0xFFFFFF80  }
0x1bd: {  	_ =	swait.ge @!p0 [sflag:s4], $0x80  }
0x1be: {  	[sflag:s4] =	ssyncset.done @!p0 $0x0  }
0x1bf: {  	[sflag:s4] =	ssyncadd.s32 @!p0 $0xFFFFFF80  }
0x1c0: {  	_ =	swait.ge @!p0 [sflag:s4], $0x80  }
0x1c1: {  	[sflag:s4] =	ssyncset.done @!p0 $0x0  }
0x1c2: {  	[sflag:s4] =	ssyncadd.s32 @!p0 $0xFFFFFF80  }
0x1c3: {  	_ =	swait.ge @!p0 [sflag:s4], $0x80  }
0x1c4: {  	[sflag:s4] =	ssyncset.done @!p0 $0x0  }
0x1c5: {  	[sflag:s4] =	ssyncadd.s32 @!p0 $0xFFFFFF80  }
0x1c6: {  	_ =	swait.ge @!p0 [sflag:s4], $0x80  }
0x1c7: {  	s12 =	sadd.s32 s10, s15;
	[sflag:s4] =	ssyncset.done @!p0 $0x0  }
0x1c8: {  	s14 =	sadd.s32 $0x1000, s12;
	[sflag:s4] =	ssyncadd.s32 @!p0 $0xFFFFFF80  }
0x1c9: {  	[tilespmem:s18], [sflag:$0x2] =	stream.linear.gather [hbm4b:s14+s3], $0x400, $0x38;
	[tilespmem:$0xB990] =	vst v63  }
0x1ca: {  	_ =	swait.ge [sflag:s19], $0x400  }
0x1cb: {  	[sflag:s19] =	ssyncset.done $0x0  }
0x1cc: {  	[sflag:s19] =	ssyncadd.s32 $0xFFFFFC00  }
0x1cd: {  	[spmem:s2] =	stream.indirect.scatter [tilespmem:s21], [sflag:$0x5], $0x1, s3, s20, $0xb8;
	[tilespmem:$0xB990] =	vst v63  }
0x1ce: {  	_ = 	snop  }
0x1cf: {  	[spmem:s2] =	stream.indirect.scatter [tilespmem:s21], [sflag:$0x5], $0x1, s20, s20, $0xb8;
	[tilespmem:$0xB990] =	vst v63  }
0x1d0: {  	s16 =	rddreg [dreg:$0x3]  }
0x1d1: {  	[spmem:s2] =	stream.indirect.scatter [tilespmem:s21], [sflag:$0x5], $0x1, s16, s20, $0xb8;
	[tilespmem:$0xB990] =	vst v63  }
0x1d2: {  	s13 =	rddreg [dreg:$0x4]  }
0x1d3: {  	[spmem:s2] =	stream.indirect.scatter [tilespmem:s21], [sflag:$0x5], $0x1, s13, s20, $0xb8;
	[tilespmem:$0xB990] =	vst v63  }
0x1d4: {  	s14 =	rddreg [dreg:$0x5]  }
0x1d5: {  	[spmem:s2] =	stream.indirect.scatter [tilespmem:s21], [sflag:$0x5], $0x1, s14, s20, $0xb8;
	[tilespmem:$0xB990] =	vst v63  }
0x1d6: {  	s16 =	rddreg [dreg:$0x6]  }
0x1d7: {  	[spmem:s2] =	stream.indirect.scatter [tilespmem:s21], [sflag:$0x5], $0x1, s16, s20, $0xb8;
	[tilespmem:$0xB990] =	vst v63  }
0x1d8: {  	s14 =	rddreg [dreg:$0x7]  }
0x1d9: {  	[spmem:s2] =	stream.indirect.scatter [tilespmem:s21], [sflag:$0x5], $0x1, s14, s20, $0xb8;
	[tilespmem:$0xB990] =	vst v63  }
0x1da: {  	s4 =	simm.s32 @!p0 $0x7;
	s16 =	rddreg [dreg:$0x8]  }
0x1db: {  	[spmem:s2] =	stream.indirect.scatter [tilespmem:s21], [sflag:$0x5], $0x1, s16, s20, $0xb8;
	[tilespmem:$0xB990] =	vst v63  }
0x1dc: {  	_ =	swait.ge @!p0 [sflag:s4], $0x80  }
0x1dd: {  	[sflag:s4] =	ssyncset.done @!p0 $0x0  }
0x1de: {  	[sflag:s4] =	ssyncadd.s32 @!p0 $0xFFFFFF80  }
0x1df: {  	_ =	swait.ge @!p0 [sflag:s4], $0x80  }
0x1e0: {  	[sflag:s4] =	ssyncset.done @!p0 $0x0  }
0x1e1: {  	[sflag:s4] =	ssyncadd.s32 @!p0 $0xFFFFFF80  }
0x1e2: {  	_ =	swait.ge @!p0 [sflag:s4], $0x80  }
0x1e3: {  	[sflag:s4] =	ssyncset.done @!p0 $0x0  }
0x1e4: {  	[sflag:s4] =	ssyncadd.s32 @!p0 $0xFFFFFF80  }
0x1e5: {  	_ =	swait.ge @!p0 [sflag:s4], $0x80  }
0x1e6: {  	[sflag:s4] =	ssyncset.done @!p0 $0x0  }
0x1e7: {  	[sflag:s4] =	ssyncadd.s32 @!p0 $0xFFFFFF80  }
0x1e8: {  	_ =	swait.ge @!p0 [sflag:s4], $0x80  }
0x1e9: {  	[sflag:s4] =	ssyncset.done @!p0 $0x0  }
0x1ea: {  	[sflag:s4] =	ssyncadd.s32 @!p0 $0xFFFFFF80  }
0x1eb: {  	_ =	swait.ge @!p0 [sflag:s4], $0x80  }
0x1ec: {  	[sflag:s4] =	ssyncset.done @!p0 $0x0  }
0x1ed: {  	[sflag:s4] =	ssyncadd.s32 @!p0 $0xFFFFFF80  }
0x1ee: {  	_ =	swait.ge @!p0 [sflag:s4], $0x80  }
0x1ef: {  	[sflag:s4] =	ssyncset.done @!p0 $0x0  }
0x1f0: {  	[sflag:s4] =	ssyncadd.s32 @!p0 $0xFFFFFF80  }
0x1f1: {  	_ =	swait.ge @!p0 [sflag:s4], $0x80  }
0x1f2: {  	[sflag:s4] =	ssyncset.done @!p0 $0x0  }
0x1f3: {  	s13 =	sadd.s32 $0x2000, s12;
	[sflag:s4] =	ssyncadd.s32 @!p0 $0xFFFFFF80  }
0x1f4: {  	[tilespmem:s22], [sflag:$0x3] =	stream.linear.gather [hbm4b:s13+s3], $0x400, $0x38;
	[tilespmem:$0xB990] =	vst v63  }
0x1f5: {  	_ =	swait.ge [sflag:s23], $0x400  }
0x1f6: {  	[sflag:s23] =	ssyncset.done $0x0  }
0x1f7: {  	[sflag:s23] =	ssyncadd.s32 $0xFFFFFC00  }
0x1f8: {  	[spmem:s2] =	stream.indirect.scatter [tilespmem:s21], [sflag:$0x6], $0x1, s18, s20, $0xb8;
	[tilespmem:$0xB990] =	vst v63  }
0x1f9: {  	s14 =	rddreg [dreg:$0x9]  }
0x1fa: {  	[spmem:s2] =	stream.indirect.scatter [tilespmem:s21], [sflag:$0x6], $0x1, s14, s20, $0xb8;
	[tilespmem:$0xB990] =	vst v63  }
0x1fb: {  	s16 =	rddreg [dreg:$0xa]  }
0x1fc: {  	[spmem:s2] =	stream.indirect.scatter [tilespmem:s21], [sflag:$0x6], $0x1, s16, s20, $0xb8;
	[tilespmem:$0xB990] =	vst v63  }
0x1fd: {  	s14 =	rddreg [dreg:$0xb]  }
0x1fe: {  	[spmem:s2] =	stream.indirect.scatter [tilespmem:s21], [sflag:$0x6], $0x1, s14, s20, $0xb8;
	[tilespmem:$0xB990] =	vst v63  }
0x1ff: {  	s16 =	rddreg [dreg:$0xc]  }
0x200: {  	[spmem:s2] =	stream.indirect.scatter [tilespmem:s21], [sflag:$0x6], $0x1, s16, s20, $0xb8;
	[tilespmem:$0xB990] =	vst v63  }
0x201: {  	s14 =	rddreg [dreg:$0xd]  }
0x202: {  	[spmem:s2] =	stream.indirect.scatter [tilespmem:s21], [sflag:$0x6], $0x1, s14, s20, $0xb8;
	[tilespmem:$0xB990] =	vst v63  }
0x203: {  	s16 =	rddreg [dreg:$0xe]  }
0x204: {  	[spmem:s2] =	stream.indirect.scatter [tilespmem:s21], [sflag:$0x6], $0x1, s16, s20, $0xb8;
	[tilespmem:$0xB990] =	vst v63  }
0x205: {  	s4 =	simm.s32 @!p0 $0x8;
	s14 =	rddreg [dreg:$0xf]  }
0x206: {  	[spmem:s2] =	stream.indirect.scatter [tilespmem:s21], [sflag:$0x6], $0x1, s14, s20, $0xb8;
	[tilespmem:$0xB990] =	vst v63  }
0x207: {  	_ =	swait.ge @!p0 [sflag:s4], $0x80  }
0x208: {  	[sflag:s4] =	ssyncset.done @!p0 $0x0  }
0x209: {  	[sflag:s4] =	ssyncadd.s32 @!p0 $0xFFFFFF80  }
0x20a: {  	_ =	swait.ge @!p0 [sflag:s4], $0x80  }
0x20b: {  	[sflag:s4] =	ssyncset.done @!p0 $0x0  }
0x20c: {  	[sflag:s4] =	ssyncadd.s32 @!p0 $0xFFFFFF80  }
0x20d: {  	_ =	swait.ge @!p0 [sflag:s4], $0x80  }
0x20e: {  	[sflag:s4] =	ssyncset.done @!p0 $0x0  }
0x20f: {  	[sflag:s4] =	ssyncadd.s32 @!p0 $0xFFFFFF80  }
0x210: {  	_ =	swait.ge @!p0 [sflag:s4], $0x80  }
0x211: {  	[sflag:s4] =	ssyncset.done @!p0 $0x0  }
0x212: {  	[sflag:s4] =	ssyncadd.s32 @!p0 $0xFFFFFF80  }
0x213: {  	_ =	swait.ge @!p0 [sflag:s4], $0x80  }
0x214: {  	[sflag:s4] =	ssyncset.done @!p0 $0x0  }
0x215: {  	[sflag:s4] =	ssyncadd.s32 @!p0 $0xFFFFFF80  }
0x216: {  	_ =	swait.ge @!p0 [sflag:s4], $0x80  }
0x217: {  	[sflag:s4] =	ssyncset.done @!p0 $0x0  }
0x218: {  	[sflag:s4] =	ssyncadd.s32 @!p0 $0xFFFFFF80  }
0x219: {  	_ =	swait.ge @!p0 [sflag:s4], $0x80  }
0x21a: {  	[sflag:s4] =	ssyncset.done @!p0 $0x0  }
0x21b: {  	[sflag:s4] =	ssyncadd.s32 @!p0 $0xFFFFFF80  }
0x21c: {  	_ =	swait.ge @!p0 [sflag:s4], $0x80  }
0x21d: {  	[sflag:s4] =	ssyncset.done @!p0 $0x0  }
0x21e: {  	s16 =	sadd.s32 $0x3000, s12;
	[sflag:s4] =	ssyncadd.s32 @!p0 $0xFFFFFF80  }
0x21f: {  	[tilespmem:s24], [sflag:$0x4] =	stream.linear.gather [hbm4b:s16+s3], $0x400, $0x38;
	[tilespmem:$0xB990] =	vst v63  }
0x220: {  	_ =	swait.ge [sflag:s25], $0x400  }
0x221: {  	[sflag:s25] =	ssyncset.done $0x0  }
0x222: {  	[sflag:s25] =	ssyncadd.s32 $0xFFFFFC00  }
0x223: {  	[spmem:s2] =	stream.indirect.scatter [tilespmem:s21], [sflag:$0x7], $0x1, s22, s20, $0xb8;
	[tilespmem:$0xB990] =	vst v63  }
0x224: {  	s12 =	rddreg [dreg:$0x10]  }
0x225: {  	[spmem:s2] =	stream.indirect.scatter [tilespmem:s21], [sflag:$0x7], $0x1, s12, s20, $0xb8;
	[tilespmem:$0xB990] =	vst v63  }
0x226: {  	s13 =	rddreg [dreg:$0x11]  }
0x227: {  	[spmem:s2] =	stream.indirect.scatter [tilespmem:s21], [sflag:$0x7], $0x1, s13, s20, $0xb8;
	[tilespmem:$0xB990] =	vst v63  }
0x228: {  	s14 =	rddreg [dreg:$0x12]  }
0x229: {  	[spmem:s2] =	stream.indirect.scatter [tilespmem:s21], [sflag:$0x7], $0x1, s14, s20, $0xb8;
	[tilespmem:$0xB990] =	vst v63  }
0x22a: {  	s16 =	rddreg [dreg:$0x13]  }
0x22b: {  	[spmem:s2] =	stream.indirect.scatter [tilespmem:s21], [sflag:$0x7], $0x1, s16, s20, $0xb8;
	[tilespmem:$0xB990] =	vst v63  }
0x22c: {  	s13 =	rddreg [dreg:$0x14]  }
0x22d: {  	[spmem:s2] =	stream.indirect.scatter [tilespmem:s21], [sflag:$0x7], $0x1, s13, s20, $0xb8;
	[tilespmem:$0xB990] =	vst v63  }
0x22e: {  	s14 =	rddreg [dreg:$0x15]  }
0x22f: {  	[spmem:s2] =	stream.indirect.scatter [tilespmem:s21], [sflag:$0x7], $0x1, s14, s20, $0xb8;
	[tilespmem:$0xB990] =	vst v63  }
0x230: {  	s16 =	rddreg [dreg:$0x16]  }
0x231: {  	[spmem:s2] =	stream.indirect.scatter [tilespmem:s21], [sflag:$0x7], $0x1, s16, s20, $0xb8;
	[tilespmem:$0xB990] =	vst v63  }
0x232: {  	_ =	swait.ge [sflag:s26], $0x80  }
0x233: {  	[sflag:s26] =	ssyncset.done $0x0  }
0x234: {  	[sflag:s26] =	ssyncadd.s32 $0xFFFFFF80  }
0x235: {  	_ =	swait.ge [sflag:s26], $0x80  }
0x236: {  	[sflag:s26] =	ssyncset.done $0x0  }
0x237: {  	[sflag:s26] =	ssyncadd.s32 $0xFFFFFF80  }
0x238: {  	_ =	swait.ge [sflag:s26], $0x80  }
0x239: {  	[sflag:s26] =	ssyncset.done $0x0  }
0x23a: {  	[sflag:s26] =	ssyncadd.s32 $0xFFFFFF80  }
0x23b: {  	_ =	swait.ge [sflag:s26], $0x80  }
0x23c: {  	[sflag:s26] =	ssyncset.done $0x0  }
0x23d: {  	[sflag:s26] =	ssyncadd.s32 $0xFFFFFF80  }
0x23e: {  	_ =	swait.ge [sflag:s26], $0x80  }
0x23f: {  	[sflag:s26] =	ssyncset.done $0x0  }
0x240: {  	[sflag:s26] =	ssyncadd.s32 $0xFFFFFF80  }
0x241: {  	_ =	swait.ge [sflag:s26], $0x80  }
0x242: {  	[sflag:s26] =	ssyncset.done $0x0  }
0x243: {  	[sflag:s26] =	ssyncadd.s32 $0xFFFFFF80  }
0x244: {  	_ =	swait.ge [sflag:s26], $0x80  }
0x245: {  	[sflag:s26] =	ssyncset.done $0x0  }
0x246: {  	[sflag:s26] =	ssyncadd.s32 $0xFFFFFF80  }
0x247: {  	p0 =	sgt.u32 s11, $0x6;
	_ =	swait.ge [sflag:s26], $0x80  }
0x248: {  	s4 =	sadd.s32 @!p0 s10, s15;
	[sflag:s26] =	ssyncset.done $0x0  }
0x249: {  	s10 =	simm.s32 @!p0 $0x0;
	s4 =	sadd.s32 @!p0 $0x4000, s4;
	[sflag:s26] =	ssyncadd.s32 $0xFFFFFF80  }
0x24a: {  	[tilespmem:s10], [sflag:$0x1] =	stream.linear.gather @!p0 [hbm4b:s4+s10], $0x400, $0x38;
	[tilespmem:$0xB990] =	vst v63  }
0x24b: {  	_ =	swait.ge [sflag:s28], $0x400  }
0x24c: {  	[sflag:s28] =	ssyncset.done $0x0  }
0x24d: {  	[sflag:s28] =	ssyncadd.s32 $0xFFFFFC00  }
0x24e: {  	[spmem:s2] =	stream.indirect.scatter [tilespmem:s21], [sflag:$0x8], $0x1, s24, s20, $0xb8;
	[tilespmem:$0xB990] =	vst v63  }
0x24f: {  	s11 =	rddreg [dreg:$0x17]  }
0x250: {  	[spmem:s2] =	stream.indirect.scatter [tilespmem:s21], [sflag:$0x8], $0x1, s11, s20, $0xb8;
	[tilespmem:$0xB990] =	vst v63  }
0x251: {  	_ = 	snop  }
0x252: {  	[spmem:s2] =	stream.indirect.scatter [tilespmem:s21], [sflag:$0x8], $0x1, s29, s20, $0xb8;
	[tilespmem:$0xB990] =	vst v63  }
0x253: {  	_ = 	snop  }
0x254: {  	[spmem:s2] =	stream.indirect.scatter [tilespmem:s21], [sflag:$0x8], $0x1, s30, s20, $0xb8;
	[tilespmem:$0xB990] =	vst v63  }
0x255: {  	_ = 	snop  }
0x256: {  	[spmem:s2] =	stream.indirect.scatter [tilespmem:s21], [sflag:$0x8], $0x1, s31, s20, $0xb8;
	[tilespmem:$0xB990] =	vst v63  }
0x257: {  	_ = 	snop  }
0x258: {  	[spmem:s2] =	stream.indirect.scatter [tilespmem:s21], [sflag:$0x8], $0x1, s0, s20, $0xb8;
	[tilespmem:$0xB990] =	vst v63  }
0x259: {  	_ = 	snop  }
0x25a: {  	[spmem:s2] =	stream.indirect.scatter [tilespmem:s21], [sflag:$0x8], $0x1, s1, s20, $0xb8;
	[tilespmem:$0xB990] =	vst v63  }
0x25b: {  	_ = 	snop  }
0x25c: {  	[spmem:s2] =	stream.indirect.scatter [tilespmem:s21], [sflag:$0x8], $0x1, s5, s20, $0xb8;
	[tilespmem:$0xB990] =	vst v63  }
0x25d: {  	_ =	swait.ge [sflag:s6], $0x80  }
0x25e: {  	[sflag:s6] =	ssyncset.done $0x0  }
0x25f: {  	[sflag:s6] =	ssyncadd.s32 $0xFFFFFF80  }
0x260: {  	_ =	swait.ge [sflag:s6], $0x80  }
0x261: {  	[sflag:s6] =	ssyncset.done $0x0  }
0x262: {  	[sflag:s6] =	ssyncadd.s32 $0xFFFFFF80  }
0x263: {  	_ =	swait.ge [sflag:s6], $0x80  }
0x264: {  	[sflag:s6] =	ssyncset.done $0x0  }
0x265: {  	[sflag:s6] =	ssyncadd.s32 $0xFFFFFF80  }
0x266: {  	_ =	swait.ge [sflag:s6], $0x80  }
0x267: {  	[sflag:s6] =	ssyncset.done $0x0  }
0x268: {  	[sflag:s6] =	ssyncadd.s32 $0xFFFFFF80  }
0x269: {  	_ =	swait.ge [sflag:s6], $0x80  }
0x26a: {  	[sflag:s6] =	ssyncset.done $0x0  }
0x26b: {  	[sflag:s6] =	ssyncadd.s32 $0xFFFFFF80  }
0x26c: {  	_ =	swait.ge [sflag:s6], $0x80  }
0x26d: {  	[sflag:s6] =	ssyncset.done $0x0  }
0x26e: {  	[sflag:s6] =	ssyncadd.s32 $0xFFFFFF80  }
0x26f: {  	_ =	swait.ge [sflag:s6], $0x80  }
0x270: {  	[sflag:s6] =	ssyncset.done $0x0  }
0x271: {  	[sflag:s6] =	ssyncadd.s32 $0xFFFFFF80  }
0x272: {  	_ =	swait.ge [sflag:s6], $0x80  }
0x273: {  	[sflag:s6] =	ssyncset.done $0x0  }
0x274: {  	[sflag:s6] =	ssyncadd.s32 $0xFFFFFF80  }
0x275: {  	_ =	swait.ge [sflag:s7], $0x80  }
0x276: {  	[sflag:s7] =	ssyncset.done $0x0  }
0x277: {  	[sflag:s7] =	ssyncadd.s32 $0xFFFFFF80  }
0x278: {  	_ =	swait.ge [sflag:s7], $0x80  }
0x279: {  	[sflag:s7] =	ssyncset.done $0x0  }
0x27a: {  	[sflag:s7] =	ssyncadd.s32 $0xFFFFFF80  }
0x27b: {  	_ =	swait.ge [sflag:s7], $0x80  }
0x27c: {  	[sflag:s7] =	ssyncset.done $0x0  }
0x27d: {  	[sflag:s7] =	ssyncadd.s32 $0xFFFFFF80  }
0x27e: {  	_ =	swait.ge [sflag:s7], $0x80  }
0x27f: {  	[sflag:s7] =	ssyncset.done $0x0  }
0x280: {  	[sflag:s7] =	ssyncadd.s32 $0xFFFFFF80  }
0x281: {  	_ =	swait.ge [sflag:s7], $0x80  }
0x282: {  	[sflag:s7] =	ssyncset.done $0x0  }
0x283: {  	[sflag:s7] =	ssyncadd.s32 $0xFFFFFF80  }
0x284: {  	_ =	swait.ge [sflag:s7], $0x80  }
0x285: {  	[sflag:s7] =	ssyncset.done $0x0  }
0x286: {  	[sflag:s7] =	ssyncadd.s32 $0xFFFFFF80  }
0x287: {  	_ =	swait.ge [sflag:s7], $0x80  }
0x288: {  	[sflag:s7] =	ssyncset.done $0x0  }
0x289: {  	[sflag:s7] =	ssyncadd.s32 $0xFFFFFF80  }
0x28a: {  	_ =	swait.ge [sflag:s7], $0x80  }
0x28b: {  	[sflag:s7] =	ssyncset.done $0x0  }
0x28c: {  	[sflag:s7] =	ssyncadd.s32 $0xFFFFFF80  }
0x28d: {  	_ =	swait.ge [sflag:s8], $0x80  }
0x28e: {  	[sflag:s8] =	ssyncset.done $0x0  }
0x28f: {  	[sflag:s8] =	ssyncadd.s32 $0xFFFFFF80  }
0x290: {  	_ =	swait.ge [sflag:s8], $0x80  }
0x291: {  	[sflag:s8] =	ssyncset.done $0x0  }
0x292: {  	[sflag:s8] =	ssyncadd.s32 $0xFFFFFF80  }
0x293: {  	_ =	swait.ge [sflag:s8], $0x80  }
0x294: {  	[sflag:s8] =	ssyncset.done $0x0  }
0x295: {  	[sflag:s8] =	ssyncadd.s32 $0xFFFFFF80  }
0x296: {  	_ =	swait.ge [sflag:s8], $0x80  }
0x297: {  	[sflag:s8] =	ssyncset.done $0x0  }
0x298: {  	[sflag:s8] =	ssyncadd.s32 $0xFFFFFF80  }
0x299: {  	_ =	swait.ge [sflag:s8], $0x80  }
0x29a: {  	[sflag:s8] =	ssyncset.done $0x0  }
0x29b: {  	[sflag:s8] =	ssyncadd.s32 $0xFFFFFF80  }
0x29c: {  	_ =	swait.ge [sflag:s8], $0x80  }
0x29d: {  	[sflag:s8] =	ssyncset.done $0x0  }
0x29e: {  	[sflag:s8] =	ssyncadd.s32 $0xFFFFFF80  }
0x29f: {  	_ =	swait.ge [sflag:s8], $0x80  }
0x2a0: {  	[sflag:s8] =	ssyncset.done $0x0  }
0x2a1: {  	[sflag:s8] =	ssyncadd.s32 $0xFFFFFF80  }
0x2a2: {  	_ =	swait.ge [sflag:s8], $0x80  }
0x2a3: {  	[sflag:s8] =	ssyncset.done $0x0  }
0x2a4: {  	[sflag:s8] =	ssyncadd.s32 $0xFFFFFF80  }
0x2a5: {  	[bflag:$0x0] =	sbarrier.arrive $0xFFFF  }
0x2a6: {  	s12 =	stileid.u32;
	s14 =	sld [smem:$0x7FC]  }
0x2a7: {  	s4 =	sshll.u32 s12, $0x6;
	s12 =	rddreg [dreg:$0x18]  }
0x2a8: {  	s4 =	sor.u32 $0x1C09, s4;
	s13 =	sshrl.u32 s12, $0x3  }
0x2a9: {  	[hbm:s14], [sflag:s4] =	dma.local [spmem:s13], $0x12C0  }
0x2aa: {  	_ =	swait.ge [sflag:s17], $0x12C0  }
0x2ab: {  	s16 =	sld [smem:$0x7FD];
	_ =	sdelay $0x1  }
0x2ac: {  	s9 =	sadd.s32 $0x1, s9  }
0x2ad: {  	p0 =	sne.s32 s9, s16  }
.Ltmp2:
0x2ae: {  	_ = 	snop;
	(pc) =	sbr.rel @p0 .LBB2_1-.Ltmp2, $3  }
0x2af: {  	_ =	sdelay $0x1  }
0x2b0: {  	[sflag:s17] =	ssyncset.done $0x0  }
0x2b1: {  	[sflag:s17] =	ssyncadd.s32 $0xFFFFED40  }
0x2b2: {  	_ =	sfence.sel $0x180000  }
0x2b3: {  	[bflag:$0x0] =	sbarrier.arrive $0xFFFF  }
0x2b4: {  	_ =	strace $0x90000047  }
0x2b5: {  	s0 =	stileid.u32;
	[bflag:$0x2] =	sbarrier.arrive $0xFFFF  }
0x2b6: {  	p0 =	sne.s32 s0, $0x0;
	s0 =	rddreg [dreg:$0x2]  }
0x2b7: {  	s0 =	sadd.s32 @!p0 $0x100000, s0  }
0x2b8: {  	[sflag:s0] =	ssyncadd.tile.s32 @!p0 $0x1;
	_ =	shalt  }
.Lfunc_end2:
_tile_overlayer_lowered:
.L_overlay_start_2:
0x2b9: {  	(tag) =	ssettag $0x2  }
0x2ba: {  	s0 =	rddreg [dreg:$0x0];
	s2 =	stileid.u32  }
0x2bb: {  	s1 =	rddreg [dreg:$0x1];
	p0 =	sne.s32 s2, $0x0  }
0x2bc: {  	s3 =	rddreg [dreg:$0x2];
	[bflag:$0x3] =	sbarrier.arrive $0xFFFF;
	s2 =	simm.s32 @!p0 $0x1C09  }
0x2bd: {  	[timem:s3], [sflag:s2] =	dma.local @!p0 [hbm:s0], s1  }
0x2be: {  	s0 =	simm.s32 @!p0 $0x9  }
0x2bf: {  	_ =	swait.ge @!p0 [sflag:s0], s1  }
0x2c0: {  	s1 =	ssub.s32 @!p0 $0x0, s1;
	[sflag:s0] =	ssyncset.done @!p0 $0x0  }
0x2c1: {  	[sflag:s0] =	ssyncadd.s32 @!p0 s1  }
0x2c2: {  	[bflag:$0x3] =	sbarrier.arrive $0xFFFF  }
0x2c3: {  	_ =	shalt  }

</sc_bundles>
